<compile_context>
chip_gen: v7x
topology: tpu7x:2x2x1
jax: 0.10.2.dev20260603
libtpu: 0.0.44.dev20260713+nightly
codegen_flags: <defaults>
</compile_context>

<pallas_src>
import functools

import jax
import jax.numpy as jnp
from jax import lax
from jax.experimental import pallas as pl
from jax.experimental.pallas import tpu as pltpu
from jax.experimental.pallas import tpu_sc as plsc

BATCH = 16384
EMB = 64

_NC = 2
_NS = 16
_NW = _NC * _NS
_BPW = BATCH // _NW
_CHUNK = 128
_NCH = _BPW // _CHUNK

_CONV_BLK = 8192


def _half(n):
    return ((n + 1) // 2 + _CONV_BLK - 1) // _CONV_BLK * _CONV_BLK


def _conv_body(a_ref, b_ref, out_ref):
    out_ref[:, :EMB] = a_ref[...].T
    out_ref[:, EMB:] = b_ref[...].T


def _tc_dualwin(pt, h):
    n = pt.shape[1]
    nblk = h // _CONV_BLK
    maxblk = (n - 1) // _CONV_BLK
    return pl.pallas_call(
        _conv_body,
        grid=(nblk,),
        in_specs=[
            pl.BlockSpec((EMB, _CONV_BLK),
                         lambda i: (0, jnp.minimum(i, maxblk))),
            pl.BlockSpec((EMB, _CONV_BLK),
                         lambda i: (0, jnp.minimum(i + nblk, maxblk))),
        ],
        out_specs=pl.BlockSpec((_CONV_BLK, 2 * EMB), lambda i: (i, 0)),
        out_shape=jax.ShapeDtypeStruct((h, 2 * EMB), jnp.float32),
    )(pt, pt)


def _sc_gather(pidx, cidx, P3, C3):
    mesh = plsc.VectorSubcoreMesh(
        core_axis_name="c", subcore_axis_name="s",
        num_cores=_NC, num_subcores=_NS)

    @functools.partial(
        pl.kernel,
        out_type=(jax.ShapeDtypeStruct((BATCH, 2 * EMB), jnp.float32),
                  jax.ShapeDtypeStruct((BATCH, 2 * EMB), jnp.float32)),
        mesh=mesh,
        scratch_types=[
            pltpu.VMEM((8, _CHUNK), jnp.int32),
            pltpu.VMEM((_BPW, 2 * EMB), jnp.float32),
            pltpu.SemaphoreType.DMA,
        ],
    )
    def gather_kernel(pid_hbm, cid_hbm, p_hbm, c_hbm, pf_hbm, cf_hbm,
                      idx, rows, sem):
        wid = lax.axis_index("s") * _NC + lax.axis_index("c")
        base = wid * _BPW
        row0 = wid * _NCH
        pltpu.sync_copy(pid_hbm.at[pl.ds(row0, _NCH)], idx.at[pl.ds(0, _NCH)])
        pltpu.sync_copy(cid_hbm.at[pl.ds(row0, _NCH)],
                        idx.at[pl.ds(_NCH, _NCH)])
        copies = [pltpu.async_copy(
            p_hbm.at[idx.at[j]],
            rows.at[pl.ds(j * _CHUNK, _CHUNK)], sem) for j in range(_NCH)]
        for cp in copies:
            cp.wait()
        pltpu.sync_copy(rows, pf_hbm.at[pl.ds(base, _BPW)])
        copies = [pltpu.async_copy(
            c_hbm.at[idx.at[_NCH + j]],
            rows.at[pl.ds(j * _CHUNK, _CHUNK)], sem) for j in range(_NCH)]
        for cp in copies:
            cp.wait()
        pltpu.sync_copy(rows, cf_hbm.at[pl.ds(base, _BPW)])

    return gather_kernel(pidx, cidx, P3, C3)


_BLK = 2048
_HP = _half(1000000)
_HC = _half(100000)


def _pick(row, ids, h):
    return jnp.where(ids >= h, row[:, EMB:], row[:, :EMB])


def _mlp_body(pf_ref, cf_ref, pid_ref, cid_ref, w1a_ref, w1b_ref, b1_ref,
              w2_ref, b2_ref, w3_ref, b3_ref, w4_ref, out_ref):
    pe = _pick(pf_ref[...], pid_ref[...], _HP)
    ce = _pick(cf_ref[...], cid_ref[...], _HC)
    h = jnp.dot(pe, w1a_ref[...], preferred_element_type=jnp.float32)
    h = h + jnp.dot(ce, w1b_ref[...], preferred_element_type=jnp.float32)
    h = jnp.maximum(h + b1_ref[...], 0.0)
    h = jnp.dot(h, w2_ref[...], preferred_element_type=jnp.float32)
    h = jnp.maximum(h + b2_ref[...], 0.0)
    h = jnp.dot(h, w3_ref[...], preferred_element_type=jnp.float32)
    h = jnp.maximum(h + b3_ref[...], 0.0)
    o = jnp.sum(h * w4_ref[...], axis=1)
    out_ref[...] = 5.0 / (1.0 + jnp.exp(-o))


def _tc_mlp(pf, cf, pid, cid, w1a, w1b, b1, w2, b2, w3, b3, w4):
    grid = (BATCH // _BLK,)
    full = lambda shape: pl.BlockSpec(shape, lambda i: (0,) * len(shape))
    return pl.pallas_call(
        _mlp_body,
        grid=grid,
        in_specs=[
            pl.BlockSpec((_BLK, 2 * EMB), lambda i: (i, 0)),
            pl.BlockSpec((_BLK, 2 * EMB), lambda i: (i, 0)),
            pl.BlockSpec((_BLK, 1), lambda i: (i, 0)),
            pl.BlockSpec((_BLK, 1), lambda i: (i, 0)),
            full((EMB, 128)), full((EMB, 128)), full((1, 128)),
            full((128, 128)), full((1, 128)),
            full((128, 128)), full((1, 128)),
            full((1, 128)),
        ],
        out_specs=pl.BlockSpec((_BLK,), lambda i: (i,)),
        out_shape=jax.ShapeDtypeStruct((BATCH,), jnp.float32),
    )(pf, cf, pid, cid, w1a, w1b, b1, w2, b2, w3, b3, w4)


def kernel(profile_ids, component_ids, P, C, W1, b1, W2, b2, W3, b3, W4, b4):
    pid = profile_ids.astype(jnp.int32)
    cid = component_ids.astype(jnp.int32)
    pidx = jnp.where(pid < _HP, pid, pid - _HP).reshape(_NW * _NCH, _CHUNK)
    cidx = jnp.where(cid < _HC, cid, cid - _HC).reshape(_NW * _NCH, _CHUNK)
    P3 = _tc_dualwin(P.T, _HP)
    C3 = _tc_dualwin(C.T, _HC)
    pf, cf = _sc_gather(pidx, cidx, P3, C3)

    w1a = W1[:, :EMB].T
    w1b = W1[:, EMB:].T
    b1r = b1.reshape(1, 128)
    w2t = jnp.zeros((128, 128), jnp.float32).at[:, :64].set(W2.T)
    b2r = jnp.zeros((1, 128), jnp.float32).at[0, :64].set(b2)
    w3t = jnp.zeros((128, 128), jnp.float32).at[:64, :32].set(W3.T)
    b3r = (jnp.zeros((1, 128), jnp.float32).at[0, :32].set(b3)
           .at[0, 32].set(1.0))
    w4r = (jnp.zeros((1, 128), jnp.float32).at[0, :32].set(W4[0])
           .at[0, 32].set(b4[0]))
    return _tc_mlp(pf, cf, pid.reshape(BATCH, 1), cid.reshape(BATCH, 1),
                   w1a, w1b, b1r, w2t, b2r, w3t, b3r, w4r)

# --- scband reference (transcript-rebuilt; emitter-appended) ---
"""Pipeline reference for scband-ncfmodel-74440373175018 (READ-ONLY COPY).

The authoritative reference and input builder live on the scoring server;
editing this copy changes nothing except your own understanding.
"""

import jax, jax.numpy as jnp
import numpy as np

NUM_PROFILES = 1000000
NUM_COMPONENTS = 100000
EMB = 64
BATCH = 16384
HIDDEN = [128, 64, 32]

def setup_inputs(seed: int = 0) -> dict:
    key = jax.random.key(seed)
    ks = jax.random.split(key, 12)
    profile_ids = jax.random.randint(ks[0], (BATCH,), 0, NUM_PROFILES, dtype=jnp.int64 if jax.config.jax_enable_x64 else jnp.int32)
    component_ids = jax.random.randint(ks[1], (BATCH,), 0, NUM_COMPONENTS, dtype=jnp.int64 if jax.config.jax_enable_x64 else jnp.int32)
    P = jax.random.normal(ks[2], (NUM_PROFILES, EMB), dtype=jnp.float32) * 0.01
    C = jax.random.normal(ks[3], (NUM_COMPONENTS, EMB), dtype=jnp.float32) * 0.01
    dims = [EMB * 2] + HIDDEN + [1]
    params = {}
    for i in range(len(dims) - 1):
        fan_in, fan_out = dims[i], dims[i + 1]
        limit = float(np.sqrt(6.0 / (fan_in + fan_out)))
        params[f'W{i+1}'] = jax.random.uniform(ks[4 + i], (fan_out, fan_in), dtype=jnp.float32, minval=-limit, maxval=limit)
        params[f'b{i+1}'] = jnp.zeros((fan_out,), dtype=jnp.float32)
    return {'profile_ids': profile_ids, 'component_ids': component_ids, 'P': P, 'C': C, **params}

def reference(profile_ids, component_ids, P, C, W1, b1, W2, b2, W3, b3, W4, b4):
    pe = jnp.take(P, profile_ids, axis=0)
    ce = jnp.take(C, component_ids, axis=0)
    x = jnp.concatenate([pe, ce], axis=-1)
    h = jax.nn.relu(x @ W1.T + b1)
    h = jax.nn.relu(h @ W2.T + b2)
    h = jax.nn.relu(h @ W3.T + b3)
    out = h @ W4.T + b4
    out = jax.nn.sigmoid(out) * 5.0
    return jnp.squeeze(out, axis=-1)

if __name__ == "__main__":
    import jax
    _d = setup_inputs()
    print(jax.jit(kernel)(*tuple(_d.values())))

</pallas_src>

<mosaic_0001>
#map = affine_map<(d0, d1) -> (0, 0)>
module attributes {stable_mosaic.version = 14 : i64} {
  func.func @gather_kernel(%arg0: i32, %arg1: i32, %arg2: memref<128x128xi32, #tpu.memory_space<hbm>>, %arg3: memref<128x128xi32, #tpu.memory_space<hbm>>, %arg4: memref<507904x128xf32, #tpu.memory_space<hbm>>, %arg5: memref<57344x128xf32, #tpu.memory_space<hbm>>, %arg6: memref<16384x128xf32, #tpu.memory_space<hbm>>, %arg7: memref<16384x128xf32, #tpu.memory_space<hbm>>, %arg8: memref<8x128xi32, #tpu.memory_space<vmem>>, %arg9: memref<512x128xf32, #tpu.memory_space<vmem>>, %arg10: memref<!tpu.dma_semaphore, #tpu.memory_space<semaphore_mem>>) attributes {dimension_semantics = [#tpu.dimension_semantics<core_parallel>, #tpu.dimension_semantics<subcore_parallel>], iteration_bounds = array<i64: 2, 16>, scalar_prefetch = 0 : i64, scratch_operands = 3 : i64, tpu.core_type = #tpu.core_type<sc_vector_subcore>, window_params = [{transform_indices = #map}, {transform_indices = #map}, {transform_indices = #map}, {transform_indices = #map}, {transform_indices = #map}, {transform_indices = #map}]} {
    %mul3A = arith.constant 2 : i32
    %mul3A_0 = arith.muli %arg1, %mul3A : i32
    %add3A = arith.addi %mul3A_0, %arg0 : i32
    %mul3A_1 = arith.constant 512 : i32
    %mul3A_2 = arith.muli %add3A, %mul3A_1 : i32
    %mul3A_3 = arith.constant 4 : i32
    %mul3A_4 = arith.muli %add3A, %mul3A_3 : i32
    "tpu.region"() ({
      %run_scoped3A = tpu.sem_alloc : memref<!tpu.dma_semaphore, #tpu.memory_space<semaphore_mem>>
      %dma_start3A_163 = arith.constant 0 : i32
      %dma_start3A_164 = arith.constant 0 : i32
      %dma_start3A_165 = tpu.memref_slice %arg8[%dma_start3A_163, %dma_start3A_164] : memref<8x128xi32, #tpu.memory_space<vmem>> -> memref<4x128xi32, #tpu.memory_space<vmem>>
      %dma_start3A_166 = arith.constant 0 : i32
      %dma_start3A_167 = tpu.memref_slice %arg2[%mul3A_4, %dma_start3A_166] : memref<128x128xi32, #tpu.memory_space<hbm>> -> memref<4x128xi32, #tpu.memory_space<hbm>>
      %dma_start3A_168 = arith.constant 0 : i32
      %dma_start3A_169 = arith.constant 0 : i32
      %dma_start3A_170 = tpu.memref_slice %arg8[%dma_start3A_168, %dma_start3A_169] : memref<8x128xi32, #tpu.memory_space<vmem>> -> memref<4x128xi32, #tpu.memory_space<vmem>>
      %dma_start3A_171 = arith.constant 0 : i32
      %dma_start3A_172 = tpu.memref_slice %arg2[%mul3A_4, %dma_start3A_171] : memref<128x128xi32, #tpu.memory_space<hbm>> -> memref<4x128xi32, #tpu.memory_space<hbm>>
      tpu.enqueue_dma source(%dma_start3A_172 : memref<4x128xi32, #tpu.memory_space<hbm>>) target(%dma_start3A_170 : memref<4x128xi32, #tpu.memory_space<vmem>>) target_semaphore(%run_scoped3A : memref<!tpu.dma_semaphore, #tpu.memory_space<semaphore_mem>>)
      %dma_wait3A_173 = arith.constant 0 : i32
      %dma_wait3A_174 = arith.constant 0 : i32
      %dma_wait3A_175 = tpu.memref_slice %arg8[%dma_wait3A_173, %dma_wait3A_174] : memref<8x128xi32, #tpu.memory_space<vmem>> -> memref<4x128xi32, #tpu.memory_space<vmem>>
      %dma_wait3A_176 = arith.constant 0 : i32
      %dma_wait3A_177 = tpu.memref_slice %arg2[%mul3A_4, %dma_wait3A_176] : memref<128x128xi32, #tpu.memory_space<hbm>> -> memref<4x128xi32, #tpu.memory_space<hbm>>
      %dma_wait3A_178 = arith.constant 0 : i32
      %dma_wait3A_179 = arith.constant 0 : i32
      %dma_wait3A_180 = tpu.memref_slice %arg8[%dma_wait3A_178, %dma_wait3A_179] : memref<8x128xi32, #tpu.memory_space<vmem>> -> memref<4x128xi32, #tpu.memory_space<vmem>>
      %dma_wait3A_181 = arith.constant 0 : i32
      %dma_wait3A_182 = tpu.memref_slice %arg2[%mul3A_4, %dma_wait3A_181] : memref<128x128xi32, #tpu.memory_space<hbm>> -> memref<4x128xi32, #tpu.memory_space<hbm>>
      tpu.wait_dma2 semaphore(%run_scoped3A : memref<!tpu.dma_semaphore, #tpu.memory_space<semaphore_mem>>) src(%dma_wait3A_182 : memref<4x128xi32, #tpu.memory_space<hbm>>) dst(%dma_wait3A_180 : memref<4x128xi32, #tpu.memory_space<vmem>>)
      tpu.yield
    }) : () -> ()
    "tpu.region"() ({
      %run_scoped3A = tpu.sem_alloc : memref<!tpu.dma_semaphore, #tpu.memory_space<semaphore_mem>>
      %dma_start3A_163 = arith.constant 4 : i32
      %dma_start3A_164 = arith.constant 0 : i32
      %dma_start3A_165 = tpu.memref_slice %arg8[%dma_start3A_163, %dma_start3A_164] : memref<8x128xi32, #tpu.memory_space<vmem>> -> memref<4x128xi32, #tpu.memory_space<vmem>>
      %dma_start3A_166 = arith.constant 0 : i32
      %dma_start3A_167 = tpu.memref_slice %arg3[%mul3A_4, %dma_start3A_166] : memref<128x128xi32, #tpu.memory_space<hbm>> -> memref<4x128xi32, #tpu.memory_space<hbm>>
      %dma_start3A_168 = arith.constant 4 : i32
      %dma_start3A_169 = arith.constant 0 : i32
      %dma_start3A_170 = tpu.memref_slice %arg8[%dma_start3A_168, %dma_start3A_169] : memref<8x128xi32, #tpu.memory_space<vmem>> -> memref<4x128xi32, #tpu.memory_space<vmem>>
      %dma_start3A_171 = arith.constant 0 : i32
      %dma_start3A_172 = tpu.memref_slice %arg3[%mul3A_4, %dma_start3A_171] : memref<128x128xi32, #tpu.memory_space<hbm>> -> memref<4x128xi32, #tpu.memory_space<hbm>>
      tpu.enqueue_dma source(%dma_start3A_172 : memref<4x128xi32, #tpu.memory_space<hbm>>) target(%dma_start3A_170 : memref<4x128xi32, #tpu.memory_space<vmem>>) target_semaphore(%run_scoped3A : memref<!tpu.dma_semaphore, #tpu.memory_space<semaphore_mem>>)
      %dma_wait3A_173 = arith.constant 4 : i32
      %dma_wait3A_174 = arith.constant 0 : i32
      %dma_wait3A_175 = tpu.memref_slice %arg8[%dma_wait3A_173, %dma_wait3A_174] : memref<8x128xi32, #tpu.memory_space<vmem>> -> memref<4x128xi32, #tpu.memory_space<vmem>>
      %dma_wait3A_176 = arith.constant 0 : i32
      %dma_wait3A_177 = tpu.memref_slice %arg3[%mul3A_4, %dma_wait3A_176] : memref<128x128xi32, #tpu.memory_space<hbm>> -> memref<4x128xi32, #tpu.memory_space<hbm>>
      %dma_wait3A_178 = arith.constant 4 : i32
      %dma_wait3A_179 = arith.constant 0 : i32
      %dma_wait3A_180 = tpu.memref_slice %arg8[%dma_wait3A_178, %dma_wait3A_179] : memref<8x128xi32, #tpu.memory_space<vmem>> -> memref<4x128xi32, #tpu.memory_space<vmem>>
      %dma_wait3A_181 = arith.constant 0 : i32
      %dma_wait3A_182 = tpu.memref_slice %arg3[%mul3A_4, %dma_wait3A_181] : memref<128x128xi32, #tpu.memory_space<hbm>> -> memref<4x128xi32, #tpu.memory_space<hbm>>
      tpu.wait_dma2 semaphore(%run_scoped3A : memref<!tpu.dma_semaphore, #tpu.memory_space<semaphore_mem>>) src(%dma_wait3A_182 : memref<4x128xi32, #tpu.memory_space<hbm>>) dst(%dma_wait3A_180 : memref<4x128xi32, #tpu.memory_space<vmem>>)
      tpu.yield
    }) : () -> ()
    %dma_start3A = arith.constant 0 : i32
    %dma_start3A_5 = arith.constant 0 : i32
    %dma_start3A_6 = arith.constant 0 : i32
    %dma_start3A_7 = tpu.memref_slice %arg9[%dma_start3A_5, %dma_start3A_6] : memref<512x128xf32, #tpu.memory_space<vmem>> -> memref<128x128xf32, #tpu.memory_space<vmem>>
    %dma_start3A_8 = arith.constant 0 : i32
    %dma_start3A_9 = tpu.memref_slice %arg8[%dma_start3A, %dma_start3A_8] : memref<8x128xi32, #tpu.memory_space<vmem>> -> memref<1x128xi32, #tpu.memory_space<vmem>>
    %dma_start3A_10 = tpu.memref_squeeze %dma_start3A_9 : memref<1x128xi32, #tpu.memory_space<vmem>> -> memref<128xi32, #tpu.memory_space<vmem>>
    %dma_start3A_11 = arith.constant 0 : i32
    %dma_start3A_12 = arith.constant 0 : i32
    %dma_start3A_13 = tpu.memref_slice %arg4[%dma_start3A_11, %dma_start3A_12] : memref<507904x128xf32, #tpu.memory_space<hbm>> -> memref<507904x128xf32, #tpu.memory_space<hbm>>
    tpu.enqueue_indirect_dma source(%dma_start3A_13 : memref<507904x128xf32, #tpu.memory_space<hbm>>) target(%dma_start3A_7 : memref<128x128xf32, #tpu.memory_space<vmem>>) offsets(%dma_start3A_10 : memref<128xi32, #tpu.memory_space<vmem>>) semaphore(%arg10 : memref<!tpu.dma_semaphore, #tpu.memory_space<semaphore_mem>>)
    %dma_start3A_14 = arith.constant 1 : i32
    %dma_start3A_15 = arith.constant 128 : i32
    %dma_start3A_16 = arith.constant 0 : i32
    %dma_start3A_17 = tpu.memref_slice %arg9[%dma_start3A_15, %dma_start3A_16] : memref<512x128xf32, #tpu.memory_space<vmem>> -> memref<128x128xf32, #tpu.memory_space<vmem>>
    %dma_start3A_18 = arith.constant 0 : i32
    %dma_start3A_19 = tpu.memref_slice %arg8[%dma_start3A_14, %dma_start3A_18] : memref<8x128xi32, #tpu.memory_space<vmem>> -> memref<1x128xi32, #tpu.memory_space<vmem>>
    %dma_start3A_20 = tpu.memref_squeeze %dma_start3A_19 : memref<1x128xi32, #tpu.memory_space<vmem>> -> memref<128xi32, #tpu.memory_space<vmem>>
    %dma_start3A_21 = arith.constant 0 : i32
    %dma_start3A_22 = arith.constant 0 : i32
    %dma_start3A_23 = tpu.memref_slice %arg4[%dma_start3A_21, %dma_start3A_22] : memref<507904x128xf32, #tpu.memory_space<hbm>> -> memref<507904x128xf32, #tpu.memory_space<hbm>>
    tpu.enqueue_indirect_dma source(%dma_start3A_23 : memref<507904x128xf32, #tpu.memory_space<hbm>>) target(%dma_start3A_17 : memref<128x128xf32, #tpu.memory_space<vmem>>) offsets(%dma_start3A_20 : memref<128xi32, #tpu.memory_space<vmem>>) semaphore(%arg10 : memref<!tpu.dma_semaphore, #tpu.memory_space<semaphore_mem>>)
    %dma_start3A_24 = arith.constant 2 : i32
    %dma_start3A_25 = arith.constant 256 : i32
    %dma_start3A_26 = arith.constant 0 : i32
    %dma_start3A_27 = tpu.memref_slice %arg9[%dma_start3A_25, %dma_start3A_26] : memref<512x128xf32, #tpu.memory_space<vmem>> -> memref<128x128xf32, #tpu.memory_space<vmem>>
    %dma_start3A_28 = arith.constant 0 : i32
    %dma_start3A_29 = tpu.memref_slice %arg8[%dma_start3A_24, %dma_start3A_28] : memref<8x128xi32, #tpu.memory_space<vmem>> -> memref<1x128xi32, #tpu.memory_space<vmem>>
    %dma_start3A_30 = tpu.memref_squeeze %dma_start3A_29 : memref<1x128xi32, #tpu.memory_space<vmem>> -> memref<128xi32, #tpu.memory_space<vmem>>
    %dma_start3A_31 = arith.constant 0 : i32
    %dma_start3A_32 = arith.constant 0 : i32
    %dma_start3A_33 = tpu.memref_slice %arg4[%dma_start3A_31, %dma_start3A_32] : memref<507904x128xf32, #tpu.memory_space<hbm>> -> memref<507904x128xf32, #tpu.memory_space<hbm>>
    tpu.enqueue_indirect_dma source(%dma_start3A_33 : memref<507904x128xf32, #tpu.memory_space<hbm>>) target(%dma_start3A_27 : memref<128x128xf32, #tpu.memory_space<vmem>>) offsets(%dma_start3A_30 : memref<128xi32, #tpu.memory_space<vmem>>) semaphore(%arg10 : memref<!tpu.dma_semaphore, #tpu.memory_space<semaphore_mem>>)
    %dma_start3A_34 = arith.constant 3 : i32
    %dma_start3A_35 = arith.constant 384 : i32
    %dma_start3A_36 = arith.constant 0 : i32
    %dma_start3A_37 = tpu.memref_slice %arg9[%dma_start3A_35, %dma_start3A_36] : memref<512x128xf32, #tpu.memory_space<vmem>> -> memref<128x128xf32, #tpu.memory_space<vmem>>
    %dma_start3A_38 = arith.constant 0 : i32
    %dma_start3A_39 = tpu.memref_slice %arg8[%dma_start3A_34, %dma_start3A_38] : memref<8x128xi32, #tpu.memory_space<vmem>> -> memref<1x128xi32, #tpu.memory_space<vmem>>
    %dma_start3A_40 = tpu.memref_squeeze %dma_start3A_39 : memref<1x128xi32, #tpu.memory_space<vmem>> -> memref<128xi32, #tpu.memory_space<vmem>>
    %dma_start3A_41 = arith.constant 0 : i32
    %dma_start3A_42 = arith.constant 0 : i32
    %dma_start3A_43 = tpu.memref_slice %arg4[%dma_start3A_41, %dma_start3A_42] : memref<507904x128xf32, #tpu.memory_space<hbm>> -> memref<507904x128xf32, #tpu.memory_space<hbm>>
    tpu.enqueue_indirect_dma source(%dma_start3A_43 : memref<507904x128xf32, #tpu.memory_space<hbm>>) target(%dma_start3A_37 : memref<128x128xf32, #tpu.memory_space<vmem>>) offsets(%dma_start3A_40 : memref<128xi32, #tpu.memory_space<vmem>>) semaphore(%arg10 : memref<!tpu.dma_semaphore, #tpu.memory_space<semaphore_mem>>)
    %dma_wait3A = arith.constant 0 : i32
    %dma_wait3A_44 = arith.constant 0 : i32
    %dma_wait3A_45 = arith.constant 0 : i32
    %dma_wait3A_46 = tpu.memref_slice %arg9[%dma_wait3A_44, %dma_wait3A_45] : memref<512x128xf32, #tpu.memory_space<vmem>> -> memref<128x128xf32, #tpu.memory_space<vmem>>
    %dma_wait3A_47 = arith.constant 0 : i32
    %dma_wait3A_48 = tpu.memref_slice %arg8[%dma_wait3A, %dma_wait3A_47] : memref<8x128xi32, #tpu.memory_space<vmem>> -> memref<1x128xi32, #tpu.memory_space<vmem>>
    %dma_wait3A_49 = tpu.memref_squeeze %dma_wait3A_48 : memref<1x128xi32, #tpu.memory_space<vmem>> -> memref<128xi32, #tpu.memory_space<vmem>>
    %dma_wait3A_50 = arith.constant 0 : i32
    %dma_wait3A_51 = arith.constant 0 : i32
    %dma_wait3A_52 = tpu.memref_slice %arg4[%dma_wait3A_50, %dma_wait3A_51] : memref<507904x128xf32, #tpu.memory_space<hbm>> -> memref<507904x128xf32, #tpu.memory_space<hbm>>
    tpu.wait_indirect_dma semaphore(%arg10 : memref<!tpu.dma_semaphore, #tpu.memory_space<semaphore_mem>>) src(%dma_wait3A_52 : memref<507904x128xf32, #tpu.memory_space<hbm>>) dst(%dma_wait3A_46 : memref<128x128xf32, #tpu.memory_space<vmem>>)
    %dma_wait3A_53 = arith.constant 1 : i32
    %dma_wait3A_54 = arith.constant 128 : i32
    %dma_wait3A_55 = arith.constant 0 : i32
    %dma_wait3A_56 = tpu.memref_slice %arg9[%dma_wait3A_54, %dma_wait3A_55] : memref<512x128xf32, #tpu.memory_space<vmem>> -> memref<128x128xf32, #tpu.memory_space<vmem>>
    %dma_wait3A_57 = arith.constant 0 : i32
    %dma_wait3A_58 = tpu.memref_slice %arg8[%dma_wait3A_53, %dma_wait3A_57] : memref<8x128xi32, #tpu.memory_space<vmem>> -> memref<1x128xi32, #tpu.memory_space<vmem>>
    %dma_wait3A_59 = tpu.memref_squeeze %dma_wait3A_58 : memref<1x128xi32, #tpu.memory_space<vmem>> -> memref<128xi32, #tpu.memory_space<vmem>>
    %dma_wait3A_60 = arith.constant 0 : i32
    %dma_wait3A_61 = arith.constant 0 : i32
    %dma_wait3A_62 = tpu.memref_slice %arg4[%dma_wait3A_60, %dma_wait3A_61] : memref<507904x128xf32, #tpu.memory_space<hbm>> -> memref<507904x128xf32, #tpu.memory_space<hbm>>
    tpu.wait_indirect_dma semaphore(%arg10 : memref<!tpu.dma_semaphore, #tpu.memory_space<semaphore_mem>>) src(%dma_wait3A_62 : memref<507904x128xf32, #tpu.memory_space<hbm>>) dst(%dma_wait3A_56 : memref<128x128xf32, #tpu.memory_space<vmem>>)
    %dma_wait3A_63 = arith.constant 2 : i32
    %dma_wait3A_64 = arith.constant 256 : i32
    %dma_wait3A_65 = arith.constant 0 : i32
    %dma_wait3A_66 = tpu.memref_slice %arg9[%dma_wait3A_64, %dma_wait3A_65] : memref<512x128xf32, #tpu.memory_space<vmem>> -> memref<128x128xf32, #tpu.memory_space<vmem>>
    %dma_wait3A_67 = arith.constant 0 : i32
    %dma_wait3A_68 = tpu.memref_slice %arg8[%dma_wait3A_63, %dma_wait3A_67] : memref<8x128xi32, #tpu.memory_space<vmem>> -> memref<1x128xi32, #tpu.memory_space<vmem>>
    %dma_wait3A_69 = tpu.memref_squeeze %dma_wait3A_68 : memref<1x128xi32, #tpu.memory_space<vmem>> -> memref<128xi32, #tpu.memory_space<vmem>>
    %dma_wait3A_70 = arith.constant 0 : i32
    %dma_wait3A_71 = arith.constant 0 : i32
    %dma_wait3A_72 = tpu.memref_slice %arg4[%dma_wait3A_70, %dma_wait3A_71] : memref<507904x128xf32, #tpu.memory_space<hbm>> -> memref<507904x128xf32, #tpu.memory_space<hbm>>
    tpu.wait_indirect_dma semaphore(%arg10 : memref<!tpu.dma_semaphore, #tpu.memory_space<semaphore_mem>>) src(%dma_wait3A_72 : memref<507904x128xf32, #tpu.memory_space<hbm>>) dst(%dma_wait3A_66 : memref<128x128xf32, #tpu.memory_space<vmem>>)
    %dma_wait3A_73 = arith.constant 3 : i32
    %dma_wait3A_74 = arith.constant 384 : i32
    %dma_wait3A_75 = arith.constant 0 : i32
    %dma_wait3A_76 = tpu.memref_slice %arg9[%dma_wait3A_74, %dma_wait3A_75] : memref<512x128xf32, #tpu.memory_space<vmem>> -> memref<128x128xf32, #tpu.memory_space<vmem>>
    %dma_wait3A_77 = arith.constant 0 : i32
    %dma_wait3A_78 = tpu.memref_slice %arg8[%dma_wait3A_73, %dma_wait3A_77] : memref<8x128xi32, #tpu.memory_space<vmem>> -> memref<1x128xi32, #tpu.memory_space<vmem>>
    %dma_wait3A_79 = tpu.memref_squeeze %dma_wait3A_78 : memref<1x128xi32, #tpu.memory_space<vmem>> -> memref<128xi32, #tpu.memory_space<vmem>>
    %dma_wait3A_80 = arith.constant 0 : i32
    %dma_wait3A_81 = arith.constant 0 : i32
    %dma_wait3A_82 = tpu.memref_slice %arg4[%dma_wait3A_80, %dma_wait3A_81] : memref<507904x128xf32, #tpu.memory_space<hbm>> -> memref<507904x128xf32, #tpu.memory_space<hbm>>
    tpu.wait_indirect_dma semaphore(%arg10 : memref<!tpu.dma_semaphore, #tpu.memory_space<semaphore_mem>>) src(%dma_wait3A_82 : memref<507904x128xf32, #tpu.memory_space<hbm>>) dst(%dma_wait3A_76 : memref<128x128xf32, #tpu.memory_space<vmem>>)
    "tpu.region"() ({
      %run_scoped3A = tpu.sem_alloc : memref<!tpu.dma_semaphore, #tpu.memory_space<semaphore_mem>>
      %dma_start3A_163 = arith.constant 0 : i32
      %dma_start3A_164 = tpu.memref_slice %arg6[%mul3A_2, %dma_start3A_163] : memref<16384x128xf32, #tpu.memory_space<hbm>> -> memref<512x128xf32, #tpu.memory_space<hbm>>
      %dma_start3A_165 = arith.constant 0 : i32
      %dma_start3A_166 = tpu.memref_slice %arg6[%mul3A_2, %dma_start3A_165] : memref<16384x128xf32, #tpu.memory_space<hbm>> -> memref<512x128xf32, #tpu.memory_space<hbm>>
      tpu.enqueue_dma source(%arg9 : memref<512x128xf32, #tpu.memory_space<vmem>>) target(%dma_start3A_166 : memref<512x128xf32, #tpu.memory_space<hbm>>) target_semaphore(%run_scoped3A : memref<!tpu.dma_semaphore, #tpu.memory_space<semaphore_mem>>)
      %dma_wait3A_167 = arith.constant 0 : i32
      %dma_wait3A_168 = tpu.memref_slice %arg6[%mul3A_2, %dma_wait3A_167] : memref<16384x128xf32, #tpu.memory_space<hbm>> -> memref<512x128xf32, #tpu.memory_space<hbm>>
      %dma_wait3A_169 = arith.constant 0 : i32
      %dma_wait3A_170 = tpu.memref_slice %arg6[%mul3A_2, %dma_wait3A_169] : memref<16384x128xf32, #tpu.memory_space<hbm>> -> memref<512x128xf32, #tpu.memory_space<hbm>>
      tpu.wait_dma2 semaphore(%run_scoped3A : memref<!tpu.dma_semaphore, #tpu.memory_space<semaphore_mem>>) src(%arg9 : memref<512x128xf32, #tpu.memory_space<vmem>>) dst(%dma_wait3A_170 : memref<512x128xf32, #tpu.memory_space<hbm>>)
      tpu.yield
    }) : () -> ()
    %dma_start3A_83 = arith.constant 4 : i32
    %dma_start3A_84 = arith.constant 0 : i32
    %dma_start3A_85 = arith.constant 0 : i32
    %dma_start3A_86 = tpu.memref_slice %arg9[%dma_start3A_84, %dma_start3A_85] : memref<512x128xf32, #tpu.memory_space<vmem>> -> memref<128x128xf32, #tpu.memory_space<vmem>>
    %dma_start3A_87 = arith.constant 0 : i32
    %dma_start3A_88 = tpu.memref_slice %arg8[%dma_start3A_83, %dma_start3A_87] : memref<8x128xi32, #tpu.memory_space<vmem>> -> memref<1x128xi32, #tpu.memory_space<vmem>>
    %dma_start3A_89 = tpu.memref_squeeze %dma_start3A_88 : memref<1x128xi32, #tpu.memory_space<vmem>> -> memref<128xi32, #tpu.memory_space<vmem>>
    %dma_start3A_90 = arith.constant 0 : i32
    %dma_start3A_91 = arith.constant 0 : i32
    %dma_start3A_92 = tpu.memref_slice %arg5[%dma_start3A_90, %dma_start3A_91] : memref<57344x128xf32, #tpu.memory_space<hbm>> -> memref<57344x128xf32, #tpu.memory_space<hbm>>
    tpu.enqueue_indirect_dma source(%dma_start3A_92 : memref<57344x128xf32, #tpu.memory_space<hbm>>) target(%dma_start3A_86 : memref<128x128xf32, #tpu.memory_space<vmem>>) offsets(%dma_start3A_89 : memref<128xi32, #tpu.memory_space<vmem>>) semaphore(%arg10 : memref<!tpu.dma_semaphore, #tpu.memory_space<semaphore_mem>>)
    %dma_start3A_93 = arith.constant 5 : i32
    %dma_start3A_94 = arith.constant 128 : i32
    %dma_start3A_95 = arith.constant 0 : i32
    %dma_start3A_96 = tpu.memref_slice %arg9[%dma_start3A_94, %dma_start3A_95] : memref<512x128xf32, #tpu.memory_space<vmem>> -> memref<128x128xf32, #tpu.memory_space<vmem>>
    %dma_start3A_97 = arith.constant 0 : i32
    %dma_start3A_98 = tpu.memref_slice %arg8[%dma_start3A_93, %dma_start3A_97] : memref<8x128xi32, #tpu.memory_space<vmem>> -> memref<1x128xi32, #tpu.memory_space<vmem>>
    %dma_start3A_99 = tpu.memref_squeeze %dma_start3A_98 : memref<1x128xi32, #tpu.memory_space<vmem>> -> memref<128xi32, #tpu.memory_space<vmem>>
    %dma_start3A_100 = arith.constant 0 : i32
    %dma_start3A_101 = arith.constant 0 : i32
    %dma_start3A_102 = tpu.memref_slice %arg5[%dma_start3A_100, %dma_start3A_101] : memref<57344x128xf32, #tpu.memory_space<hbm>> -> memref<57344x128xf32, #tpu.memory_space<hbm>>
    tpu.enqueue_indirect_dma source(%dma_start3A_102 : memref<57344x128xf32, #tpu.memory_space<hbm>>) target(%dma_start3A_96 : memref<128x128xf32, #tpu.memory_space<vmem>>) offsets(%dma_start3A_99 : memref<128xi32, #tpu.memory_space<vmem>>) semaphore(%arg10 : memref<!tpu.dma_semaphore, #tpu.memory_space<semaphore_mem>>)
    %dma_start3A_103 = arith.constant 6 : i32
    %dma_start3A_104 = arith.constant 256 : i32
    %dma_start3A_105 = arith.constant 0 : i32
    %dma_start3A_106 = tpu.memref_slice %arg9[%dma_start3A_104, %dma_start3A_105] : memref<512x128xf32, #tpu.memory_space<vmem>> -> memref<128x128xf32, #tpu.memory_space<vmem>>
    %dma_start3A_107 = arith.constant 0 : i32
    %dma_start3A_108 = tpu.memref_slice %arg8[%dma_start3A_103, %dma_start3A_107] : memref<8x128xi32, #tpu.memory_space<vmem>> -> memref<1x128xi32, #tpu.memory_space<vmem>>
    %dma_start3A_109 = tpu.memref_squeeze %dma_start3A_108 : memref<1x128xi32, #tpu.memory_space<vmem>> -> memref<128xi32, #tpu.memory_space<vmem>>
    %dma_start3A_110 = arith.constant 0 : i32
    %dma_start3A_111 = arith.constant 0 : i32
    %dma_start3A_112 = tpu.memref_slice %arg5[%dma_start3A_110, %dma_start3A_111] : memref<57344x128xf32, #tpu.memory_space<hbm>> -> memref<57344x128xf32, #tpu.memory_space<hbm>>
    tpu.enqueue_indirect_dma source(%dma_start3A_112 : memref<57344x128xf32, #tpu.memory_space<hbm>>) target(%dma_start3A_106 : memref<128x128xf32, #tpu.memory_space<vmem>>) offsets(%dma_start3A_109 : memref<128xi32, #tpu.memory_space<vmem>>) semaphore(%arg10 : memref<!tpu.dma_semaphore, #tpu.memory_space<semaphore_mem>>)
    %dma_start3A_113 = arith.constant 7 : i32
    %dma_start3A_114 = arith.constant 384 : i32
    %dma_start3A_115 = arith.constant 0 : i32
    %dma_start3A_116 = tpu.memref_slice %arg9[%dma_start3A_114, %dma_start3A_115] : memref<512x128xf32, #tpu.memory_space<vmem>> -> memref<128x128xf32, #tpu.memory_space<vmem>>
    %dma_start3A_117 = arith.constant 0 : i32
    %dma_start3A_118 = tpu.memref_slice %arg8[%dma_start3A_113, %dma_start3A_117] : memref<8x128xi32, #tpu.memory_space<vmem>> -> memref<1x128xi32, #tpu.memory_space<vmem>>
    %dma_start3A_119 = tpu.memref_squeeze %dma_start3A_118 : memref<1x128xi32, #tpu.memory_space<vmem>> -> memref<128xi32, #tpu.memory_space<vmem>>
    %dma_start3A_120 = arith.constant 0 : i32
    %dma_start3A_121 = arith.constant 0 : i32
    %dma_start3A_122 = tpu.memref_slice %arg5[%dma_start3A_120, %dma_start3A_121] : memref<57344x128xf32, #tpu.memory_space<hbm>> -> memref<57344x128xf32, #tpu.memory_space<hbm>>
    tpu.enqueue_indirect_dma source(%dma_start3A_122 : memref<57344x128xf32, #tpu.memory_space<hbm>>) target(%dma_start3A_116 : memref<128x128xf32, #tpu.memory_space<vmem>>) offsets(%dma_start3A_119 : memref<128xi32, #tpu.memory_space<vmem>>) semaphore(%arg10 : memref<!tpu.dma_semaphore, #tpu.memory_space<semaphore_mem>>)
    %dma_wait3A_123 = arith.constant 4 : i32
    %dma_wait3A_124 = arith.constant 0 : i32
    %dma_wait3A_125 = arith.constant 0 : i32
    %dma_wait3A_126 = tpu.memref_slice %arg9[%dma_wait3A_124, %dma_wait3A_125] : memref<512x128xf32, #tpu.memory_space<vmem>> -> memref<128x128xf32, #tpu.memory_space<vmem>>
    %dma_wait3A_127 = arith.constant 0 : i32
    %dma_wait3A_128 = tpu.memref_slice %arg8[%dma_wait3A_123, %dma_wait3A_127] : memref<8x128xi32, #tpu.memory_space<vmem>> -> memref<1x128xi32, #tpu.memory_space<vmem>>
    %dma_wait3A_129 = tpu.memref_squeeze %dma_wait3A_128 : memref<1x128xi32, #tpu.memory_space<vmem>> -> memref<128xi32, #tpu.memory_space<vmem>>
    %dma_wait3A_130 = arith.constant 0 : i32
    %dma_wait3A_131 = arith.constant 0 : i32
    %dma_wait3A_132 = tpu.memref_slice %arg5[%dma_wait3A_130, %dma_wait3A_131] : memref<57344x128xf32, #tpu.memory_space<hbm>> -> memref<57344x128xf32, #tpu.memory_space<hbm>>
    tpu.wait_indirect_dma semaphore(%arg10 : memref<!tpu.dma_semaphore, #tpu.memory_space<semaphore_mem>>) src(%dma_wait3A_132 : memref<57344x128xf32, #tpu.memory_space<hbm>>) dst(%dma_wait3A_126 : memref<128x128xf32, #tpu.memory_space<vmem>>)
    %dma_wait3A_133 = arith.constant 5 : i32
    %dma_wait3A_134 = arith.constant 128 : i32
    %dma_wait3A_135 = arith.constant 0 : i32
    %dma_wait3A_136 = tpu.memref_slice %arg9[%dma_wait3A_134, %dma_wait3A_135] : memref<512x128xf32, #tpu.memory_space<vmem>> -> memref<128x128xf32, #tpu.memory_space<vmem>>
    %dma_wait3A_137 = arith.constant 0 : i32
    %dma_wait3A_138 = tpu.memref_slice %arg8[%dma_wait3A_133, %dma_wait3A_137] : memref<8x128xi32, #tpu.memory_space<vmem>> -> memref<1x128xi32, #tpu.memory_space<vmem>>
    %dma_wait3A_139 = tpu.memref_squeeze %dma_wait3A_138 : memref<1x128xi32, #tpu.memory_space<vmem>> -> memref<128xi32, #tpu.memory_space<vmem>>
    %dma_wait3A_140 = arith.constant 0 : i32
    %dma_wait3A_141 = arith.constant 0 : i32
    %dma_wait3A_142 = tpu.memref_slice %arg5[%dma_wait3A_140, %dma_wait3A_141] : memref<57344x128xf32, #tpu.memory_space<hbm>> -> memref<57344x128xf32, #tpu.memory_space<hbm>>
    tpu.wait_indirect_dma semaphore(%arg10 : memref<!tpu.dma_semaphore, #tpu.memory_space<semaphore_mem>>) src(%dma_wait3A_142 : memref<57344x128xf32, #tpu.memory_space<hbm>>) dst(%dma_wait3A_136 : memref<128x128xf32, #tpu.memory_space<vmem>>)
    %dma_wait3A_143 = arith.constant 6 : i32
    %dma_wait3A_144 = arith.constant 256 : i32
    %dma_wait3A_145 = arith.constant 0 : i32
    %dma_wait3A_146 = tpu.memref_slice %arg9[%dma_wait3A_144, %dma_wait3A_145] : memref<512x128xf32, #tpu.memory_space<vmem>> -> memref<128x128xf32, #tpu.memory_space<vmem>>
    %dma_wait3A_147 = arith.constant 0 : i32
    %dma_wait3A_148 = tpu.memref_slice %arg8[%dma_wait3A_143, %dma_wait3A_147] : memref<8x128xi32, #tpu.memory_space<vmem>> -> memref<1x128xi32, #tpu.memory_space<vmem>>
    %dma_wait3A_149 = tpu.memref_squeeze %dma_wait3A_148 : memref<1x128xi32, #tpu.memory_space<vmem>> -> memref<128xi32, #tpu.memory_space<vmem>>
    %dma_wait3A_150 = arith.constant 0 : i32
    %dma_wait3A_151 = arith.constant 0 : i32
    %dma_wait3A_152 = tpu.memref_slice %arg5[%dma_wait3A_150, %dma_wait3A_151] : memref<57344x128xf32, #tpu.memory_space<hbm>> -> memref<57344x128xf32, #tpu.memory_space<hbm>>
    tpu.wait_indirect_dma semaphore(%arg10 : memref<!tpu.dma_semaphore, #tpu.memory_space<semaphore_mem>>) src(%dma_wait3A_152 : memref<57344x128xf32, #tpu.memory_space<hbm>>) dst(%dma_wait3A_146 : memref<128x128xf32, #tpu.memory_space<vmem>>)
    %dma_wait3A_153 = arith.constant 7 : i32
    %dma_wait3A_154 = arith.constant 384 : i32
    %dma_wait3A_155 = arith.constant 0 : i32
    %dma_wait3A_156 = tpu.memref_slice %arg9[%dma_wait3A_154, %dma_wait3A_155] : memref<512x128xf32, #tpu.memory_space<vmem>> -> memref<128x128xf32, #tpu.memory_space<vmem>>
    %dma_wait3A_157 = arith.constant 0 : i32
    %dma_wait3A_158 = tpu.memref_slice %arg8[%dma_wait3A_153, %dma_wait3A_157] : memref<8x128xi32, #tpu.memory_space<vmem>> -> memref<1x128xi32, #tpu.memory_space<vmem>>
    %dma_wait3A_159 = tpu.memref_squeeze %dma_wait3A_158 : memref<1x128xi32, #tpu.memory_space<vmem>> -> memref<128xi32, #tpu.memory_space<vmem>>
    %dma_wait3A_160 = arith.constant 0 : i32
    %dma_wait3A_161 = arith.constant 0 : i32
    %dma_wait3A_162 = tpu.memref_slice %arg5[%dma_wait3A_160, %dma_wait3A_161] : memref<57344x128xf32, #tpu.memory_space<hbm>> -> memref<57344x128xf32, #tpu.memory_space<hbm>>
    tpu.wait_indirect_dma semaphore(%arg10 : memref<!tpu.dma_semaphore, #tpu.memory_space<semaphore_mem>>) src(%dma_wait3A_162 : memref<57344x128xf32, #tpu.memory_space<hbm>>) dst(%dma_wait3A_156 : memref<128x128xf32, #tpu.memory_space<vmem>>)
    "tpu.region"() ({
      %run_scoped3A = tpu.sem_alloc : memref<!tpu.dma_semaphore, #tpu.memory_space<semaphore_mem>>
      %dma_start3A_163 = arith.constant 0 : i32
      %dma_start3A_164 = tpu.memref_slice %arg7[%mul3A_2, %dma_start3A_163] : memref<16384x128xf32, #tpu.memory_space<hbm>> -> memref<512x128xf32, #tpu.memory_space<hbm>>
      %dma_start3A_165 = arith.constant 0 : i32
      %dma_start3A_166 = tpu.memref_slice %arg7[%mul3A_2, %dma_start3A_165] : memref<16384x128xf32, #tpu.memory_space<hbm>> -> memref<512x128xf32, #tpu.memory_space<hbm>>
      tpu.enqueue_dma source(%arg9 : memref<512x128xf32, #tpu.memory_space<vmem>>) target(%dma_start3A_166 : memref<512x128xf32, #tpu.memory_space<hbm>>) target_semaphore(%run_scoped3A : memref<!tpu.dma_semaphore, #tpu.memory_space<semaphore_mem>>)
      %dma_wait3A_167 = arith.constant 0 : i32
      %dma_wait3A_168 = tpu.memref_slice %arg7[%mul3A_2, %dma_wait3A_167] : memref<16384x128xf32, #tpu.memory_space<hbm>> -> memref<512x128xf32, #tpu.memory_space<hbm>>
      %dma_wait3A_169 = arith.constant 0 : i32
      %dma_wait3A_170 = tpu.memref_slice %arg7[%mul3A_2, %dma_wait3A_169] : memref<16384x128xf32, #tpu.memory_space<hbm>> -> memref<512x128xf32, #tpu.memory_space<hbm>>
      tpu.wait_dma2 semaphore(%run_scoped3A : memref<!tpu.dma_semaphore, #tpu.memory_space<semaphore_mem>>) src(%arg9 : memref<512x128xf32, #tpu.memory_space<vmem>>) dst(%dma_wait3A_170 : memref<512x128xf32, #tpu.memory_space<hbm>>)
      tpu.yield
    }) : () -> ()
    return
  }
}

module attributes {stable_mosaic.version = 14 : i64} {
  func.func @_conv_body(%arg0: i32, %arg1: memref<64x8192xf32, #tpu.memory_space<vmem>>, %arg2: memref<64x8192xf32, #tpu.memory_space<vmem>>, %arg3: memref<8192x128xf32, #tpu.memory_space<vmem>>) attributes {dimension_semantics = [#tpu.dimension_semantics<arbitrary>], iteration_bounds = array<i64: 7>, scalar_prefetch = 0 : i64, scratch_operands = 0 : i64, tpu.core_type = #tpu.core_type<tc>, window_params = [{transform_indices = @transform_0, window_bounds = array<i64: 64, 8192>}, {transform_indices = @transform_1, window_bounds = array<i64: 64, 8192>}, {transform_indices = @transform_2, window_bounds = array<i64: 8192, 128>}]} {
    %get3A = arith.constant 0 : index
    %get3A_0 = arith.constant 0 : index
    %get3A_1 = vector.load %arg1[%get3A, %get3A_0] : memref<64x8192xf32, #tpu.memory_space<vmem>>, vector<64x8192xf32>
    %transpose3A = tpu.transpose %get3A_1, [1, 0] : vector<64x8192xf32> -> vector<8192x64xf32>
    %swap3A = arith.constant 0 : index
    %swap3A_2 = arith.constant 0 : index
    %swap3A_3 = vector.load %arg3[%swap3A, %swap3A_2] : memref<8192x128xf32, #tpu.memory_space<vmem>>, vector<8192x64xf32>
    tpu.vector_store %arg3[%swap3A, %swap3A_2], %transpose3A {strides = array<i32>} : memref<8192x128xf32, #tpu.memory_space<vmem>>, vector<8192x64xf32>,
    %get3A_4 = arith.constant 0 : index
    %get3A_5 = arith.constant 0 : index
    %get3A_6 = vector.load %arg2[%get3A_4, %get3A_5] : memref<64x8192xf32, #tpu.memory_space<vmem>>, vector<64x8192xf32>
    %transpose3A_7 = tpu.transpose %get3A_6, [1, 0] : vector<64x8192xf32> -> vector<8192x64xf32>
    %swap3A_8 = arith.constant 0 : index
    %swap3A_9 = arith.constant 64 : index
    %swap3A_10 = vector.load %arg3[%swap3A_8, %swap3A_9] : memref<8192x128xf32, #tpu.memory_space<vmem>>, vector<8192x64xf32>
    tpu.vector_store %arg3[%swap3A_8, %swap3A_9], %transpose3A_7 {strides = array<i32>} : memref<8192x128xf32, #tpu.memory_space<vmem>>, vector<8192x64xf32>,
    return
  }
  func.func @transform_0(%arg0: i32) -> (i32, i32) {
    %min3A = arith.constant 12 : i32
    %min3A_0 = arith.minsi %arg0, %min3A : i32
    %c0_i32 = arith.constant 0 : i32
    %c0_i32_1 = arith.constant 0 : i32
    return %c0_i32, %min3A_0 : i32, i32
  }
  func.func @transform_1(%arg0: i32) -> (i32, i32) {
    %add3A = arith.constant 7 : i32
    %add3A_0 = arith.addi %arg0, %add3A : i32
    %min3A = arith.constant 12 : i32
    %min3A_1 = arith.minsi %add3A_0, %min3A : i32
    %c0_i32 = arith.constant 0 : i32
    %c0_i32_2 = arith.constant 0 : i32
    return %c0_i32, %min3A_1 : i32, i32
  }
  func.func @transform_2(%arg0: i32) -> (i32, i32) {
    %c0_i32 = arith.constant 0 : i32
    %c0_i32_0 = arith.constant 0 : i32
    return %arg0, %c0_i32 : i32, i32
  }
}

module attributes {stable_mosaic.version = 14 : i64} {
  func.func @_conv_body(%arg0: i32, %arg1: memref<64x8192xf32, #tpu.memory_space<vmem>>, %arg2: memref<64x8192xf32, #tpu.memory_space<vmem>>, %arg3: memref<8192x128xf32, #tpu.memory_space<vmem>>) attributes {dimension_semantics = [#tpu.dimension_semantics<arbitrary>], iteration_bounds = array<i64: 62>, scalar_prefetch = 0 : i64, scratch_operands = 0 : i64, tpu.core_type = #tpu.core_type<tc>, window_params = [{transform_indices = @transform_0, window_bounds = array<i64: 64, 8192>}, {transform_indices = @transform_1, window_bounds = array<i64: 64, 8192>}, {transform_indices = @transform_2, window_bounds = array<i64: 8192, 128>}]} {
    %get3A = arith.constant 0 : index
    %get3A_0 = arith.constant 0 : index
    %get3A_1 = vector.load %arg1[%get3A, %get3A_0] : memref<64x8192xf32, #tpu.memory_space<vmem>>, vector<64x8192xf32>
    %transpose3A = tpu.transpose %get3A_1, [1, 0] : vector<64x8192xf32> -> vector<8192x64xf32>
    %swap3A = arith.constant 0 : index
    %swap3A_2 = arith.constant 0 : index
    %swap3A_3 = vector.load %arg3[%swap3A, %swap3A_2] : memref<8192x128xf32, #tpu.memory_space<vmem>>, vector<8192x64xf32>
    tpu.vector_store %arg3[%swap3A, %swap3A_2], %transpose3A {strides = array<i32>} : memref<8192x128xf32, #tpu.memory_space<vmem>>, vector<8192x64xf32>,
    %get3A_4 = arith.constant 0 : index
    %get3A_5 = arith.constant 0 : index
    %get3A_6 = vector.load %arg2[%get3A_4, %get3A_5] : memref<64x8192xf32, #tpu.memory_space<vmem>>, vector<64x8192xf32>
    %transpose3A_7 = tpu.transpose %get3A_6, [1, 0] : vector<64x8192xf32> -> vector<8192x64xf32>
    %swap3A_8 = arith.constant 0 : index
    %swap3A_9 = arith.constant 64 : index
    %swap3A_10 = vector.load %arg3[%swap3A_8, %swap3A_9] : memref<8192x128xf32, #tpu.memory_space<vmem>>, vector<8192x64xf32>
    tpu.vector_store %arg3[%swap3A_8, %swap3A_9], %transpose3A_7 {strides = array<i32>} : memref<8192x128xf32, #tpu.memory_space<vmem>>, vector<8192x64xf32>,
    return
  }
  func.func @transform_0(%arg0: i32) -> (i32, i32) {
    %min3A = arith.constant 122 : i32
    %min3A_0 = arith.minsi %arg0, %min3A : i32
    %c0_i32 = arith.constant 0 : i32
    %c0_i32_1 = arith.constant 0 : i32
    return %c0_i32, %min3A_0 : i32, i32
  }
  func.func @transform_1(%arg0: i32) -> (i32, i32) {
    %add3A = arith.constant 62 : i32
    %add3A_0 = arith.addi %arg0, %add3A : i32
    %min3A = arith.constant 122 : i32
    %min3A_1 = arith.minsi %add3A_0, %min3A : i32
    %c0_i32 = arith.constant 0 : i32
    %c0_i32_2 = arith.constant 0 : i32
    return %c0_i32, %min3A_1 : i32, i32
  }
  func.func @transform_2(%arg0: i32) -> (i32, i32) {
    %c0_i32 = arith.constant 0 : i32
    %c0_i32_0 = arith.constant 0 : i32
    return %arg0, %c0_i32 : i32, i32
  }
}

module attributes {stable_mosaic.version = 14 : i64} {
  func.func @_mlp_body(%arg0: i32, %arg1: memref<2048x128xf32, #tpu.memory_space<vmem>>, %arg2: memref<2048x128xf32, #tpu.memory_space<vmem>>, %arg3: memref<2048x1xi32, #tpu.memory_space<vmem>>, %arg4: memref<2048x1xi32, #tpu.memory_space<vmem>>, %arg5: memref<64x128xf32, #tpu.memory_space<vmem>>, %arg6: memref<64x128xf32, #tpu.memory_space<vmem>>, %arg7: memref<1x128xf32, #tpu.memory_space<vmem>>, %arg8: memref<128x128xf32, #tpu.memory_space<vmem>>, %arg9: memref<1x128xf32, #tpu.memory_space<vmem>>, %arg10: memref<128x128xf32, #tpu.memory_space<vmem>>, %arg11: memref<1x128xf32, #tpu.memory_space<vmem>>, %arg12: memref<1x128xf32, #tpu.memory_space<vmem>>, %arg13: memref<2048xf32, #tpu.memory_space<vmem>>) attributes {dimension_semantics = [#tpu.dimension_semantics<arbitrary>], iteration_bounds = array<i64: 8>, scalar_prefetch = 0 : i64, scratch_operands = 0 : i64, tpu.core_type = #tpu.core_type<tc>, window_params = [{transform_indices = @transform_0, window_bounds = array<i64: 2048, 128>}, {transform_indices = @transform_1, window_bounds = array<i64: 2048, 128>}, {transform_indices = @transform_2, window_bounds = array<i64: 2048, 1>}, {transform_indices = @transform_3, window_bounds = array<i64: 2048, 1>}, {pipeline_mode = #tpu.pipeline_mode<synchronous>, transform_indices = @transform_4, window_bounds = array<i64: 64, 128>}, {pipeline_mode = #tpu.pipeline_mode<synchronous>, transform_indices = @transform_5, window_bounds = array<i64: 64, 128>}, {pipeline_mode = #tpu.pipeline_mode<synchronous>, transform_indices = @transform_6, window_bounds = array<i64: 1, 128>}, {pipeline_mode = #tpu.pipeline_mode<synchronous>, transform_indices = @transform_7, window_bounds = array<i64: 128, 128>}, {pipeline_mode = #tpu.pipeline_mode<synchronous>, transform_indices = @transform_8, window_bounds = array<i64: 1, 128>}, {pipeline_mode = #tpu.pipeline_mode<synchronous>, transform_indices = @transform_9, window_bounds = array<i64: 128, 128>}, {pipeline_mode = #tpu.pipeline_mode<synchronous>, transform_indices = @transform_10, window_bounds = array<i64: 1, 128>}, {pipeline_mode = #tpu.pipeline_mode<synchronous>, transform_indices = @transform_11, window_bounds = array<i64: 1, 128>}, {transform_indices = @transform_12, window_bounds = array<i64: 2048>}]} {
    %get3A = arith.constant 0 : index
    %get3A_0 = arith.constant 0 : index
    %get3A_1 = vector.load %arg1[%get3A, %get3A_0] : memref<2048x128xf32, #tpu.memory_space<vmem>>, vector<2048x128xf32>
    %get3A_2 = arith.constant 0 : index
    %get3A_3 = arith.constant 0 : index
    %get3A_4 = vector.load %arg3[%get3A_2, %get3A_3] : memref<2048x1xi32, #tpu.memory_space<vmem>>, vector<2048x1xi32>
    %ge3A = arith.constant 507904 : i32
    %ge3A_5 = vector.broadcast %ge3A : i32 to vector<2048x1xi32>
    %ge3A_6 = arith.cmpi sge, %get3A_4, %ge3A_5 : vector<2048x1xi32>
    %slice3A = vector.extract_strided_slice %get3A_1 {offsets = [0, 64], sizes = [2048, 64], strides = [1, 1]} : vector<2048x128xf32> to vector<2048x64xf32>
    %slice3A_7 = vector.extract_strided_slice %get3A_1 {offsets = [0, 0], sizes = [2048, 64], strides = [1, 1]} : vector<2048x128xf32> to vector<2048x64xf32>
    %broadcast_in_dim3A = vector.shape_cast %ge3A_6 : vector<2048x1xi1> to vector<2048x1xi1>
    %broadcast_in_dim3A_8 = vector.broadcast %broadcast_in_dim3A : vector<2048x1xi1> to vector<2048x64xi1>
    %select_n3A = arith.select %broadcast_in_dim3A_8, %slice3A, %slice3A_7 : vector<2048x64xi1>, vector<2048x64xf32>
    %get3A_9 = arith.constant 0 : index
    %get3A_10 = arith.constant 0 : index
    %get3A_11 = vector.load %arg2[%get3A_9, %get3A_10] : memref<2048x128xf32, #tpu.memory_space<vmem>>, vector<2048x128xf32>
    %get3A_12 = arith.constant 0 : index
    %get3A_13 = arith.constant 0 : index
    %get3A_14 = vector.load %arg4[%get3A_12, %get3A_13] : memref<2048x1xi32, #tpu.memory_space<vmem>>, vector<2048x1xi32>
    %ge3A_15 = arith.constant 57344 : i32
    %ge3A_16 = vector.broadcast %ge3A_15 : i32 to vector<2048x1xi32>
    %ge3A_17 = arith.cmpi sge, %get3A_14, %ge3A_16 : vector<2048x1xi32>
    %slice3A_18 = vector.extract_strided_slice %get3A_11 {offsets = [0, 64], sizes = [2048, 64], strides = [1, 1]} : vector<2048x128xf32> to vector<2048x64xf32>
    %slice3A_19 = vector.extract_strided_slice %get3A_11 {offsets = [0, 0], sizes = [2048, 64], strides = [1, 1]} : vector<2048x128xf32> to vector<2048x64xf32>
    %broadcast_in_dim3A_20 = vector.shape_cast %ge3A_17 : vector<2048x1xi1> to vector<2048x1xi1>
    %broadcast_in_dim3A_21 = vector.broadcast %broadcast_in_dim3A_20 : vector<2048x1xi1> to vector<2048x64xi1>
    %select_n3A_22 = arith.select %broadcast_in_dim3A_21, %slice3A_18, %slice3A_19 : vector<2048x64xi1>, vector<2048x64xf32>
    %get3A_23 = arith.constant 0 : index
    %get3A_24 = arith.constant 0 : index
    %get3A_25 = vector.load %arg5[%get3A_23, %get3A_24] : memref<64x128xf32, #tpu.memory_space<vmem>>, vector<64x128xf32>
    %dot_general3A = arith.constant dense<0.000000e+00> : vector<2048x128xf32>
    %dot_general3A_26 = tpu.matmul %select_n3A, %get3A_25, %dot_general3A {dimension_numbers = #tpu.dot_dimension_numbers<[1], [0], [0], [1], [0, 0, 1, 1], [], []>, transpose_lhs_hint = false} : vector<2048x64xf32>, vector<64x128xf32>, vector<2048x128xf32> -> vector<2048x128xf32>
    %get3A_27 = arith.constant 0 : index
    %get3A_28 = arith.constant 0 : index
    %get3A_29 = vector.load %arg6[%get3A_27, %get3A_28] : memref<64x128xf32, #tpu.memory_space<vmem>>, vector<64x128xf32>
    %dot_general3A_30 = arith.constant dense<0.000000e+00> : vector<2048x128xf32>
    %dot_general3A_31 = tpu.matmul %select_n3A_22, %get3A_29, %dot_general3A_30 {dimension_numbers = #tpu.dot_dimension_numbers<[1], [0], [0], [1], [0, 0, 1, 1], [], []>, transpose_lhs_hint = false} : vector<2048x64xf32>, vector<64x128xf32>, vector<2048x128xf32> -> vector<2048x128xf32>
    %add3A = arith.addf %dot_general3A_26, %dot_general3A_31 : vector<2048x128xf32>
    %get3A_32 = arith.constant 0 : index
    %get3A_33 = arith.constant 0 : index
    %get3A_34 = vector.load %arg7[%get3A_32, %get3A_33] : memref<1x128xf32, #tpu.memory_space<vmem>>, vector<1x128xf32>
    %add3A_35 = vector.broadcast %get3A_34 : vector<1x128xf32> to vector<2048x128xf32>
    %add3A_36 = arith.addf %add3A, %add3A_35 : vector<2048x128xf32>
    %max3A = arith.constant 0.000000e+00 : f32
    %max3A_37 = vector.broadcast %max3A : f32 to vector<2048x128xf32>
    %max3A_38 = arith.maximumf %add3A_36, %max3A_37 : vector<2048x128xf32>
    %get3A_39 = arith.constant 0 : index
    %get3A_40 = arith.constant 0 : index
    %get3A_41 = vector.load %arg8[%get3A_39, %get3A_40] : memref<128x128xf32, #tpu.memory_space<vmem>>, vector<128x128xf32>
    %dot_general3A_42 = arith.constant dense<0.000000e+00> : vector<2048x128xf32>
    %dot_general3A_43 = tpu.matmul %max3A_38, %get3A_41, %dot_general3A_42 {dimension_numbers = #tpu.dot_dimension_numbers<[1], [0], [0], [1], [0, 0, 1, 1], [], []>, transpose_lhs_hint = false} : vector<2048x128xf32>, vector<128x128xf32>, vector<2048x128xf32> -> vector<2048x128xf32>
    %get3A_44 = arith.constant 0 : index
    %get3A_45 = arith.constant 0 : index
    %get3A_46 = vector.load %arg9[%get3A_44, %get3A_45] : memref<1x128xf32, #tpu.memory_space<vmem>>, vector<1x128xf32>
    %add3A_47 = vector.broadcast %get3A_46 : vector<1x128xf32> to vector<2048x128xf32>
    %add3A_48 = arith.addf %dot_general3A_43, %add3A_47 : vector<2048x128xf32>
    %max3A_49 = arith.constant 0.000000e+00 : f32
    %max3A_50 = vector.broadcast %max3A_49 : f32 to vector<2048x128xf32>
    %max3A_51 = arith.maximumf %add3A_48, %max3A_50 : vector<2048x128xf32>
    %get3A_52 = arith.constant 0 : index
    %get3A_53 = arith.constant 0 : index
    %get3A_54 = vector.load %arg10[%get3A_52, %get3A_53] : memref<128x128xf32, #tpu.memory_space<vmem>>, vector<128x128xf32>
    %dot_general3A_55 = arith.constant dense<0.000000e+00> : vector<2048x128xf32>
    %dot_general3A_56 = tpu.matmul %max3A_51, %get3A_54, %dot_general3A_55 {dimension_numbers = #tpu.dot_dimension_numbers<[1], [0], [0], [1], [0, 0, 1, 1], [], []>, transpose_lhs_hint = false} : vector<2048x128xf32>, vector<128x128xf32>, vector<2048x128xf32> -> vector<2048x128xf32>
    %get3A_57 = arith.constant 0 : index
    %get3A_58 = arith.constant 0 : index
    %get3A_59 = vector.load %arg11[%get3A_57, %get3A_58] : memref<1x128xf32, #tpu.memory_space<vmem>>, vector<1x128xf32>
    %add3A_60 = vector.broadcast %get3A_59 : vector<1x128xf32> to vector<2048x128xf32>
    %add3A_61 = arith.addf %dot_general3A_56, %add3A_60 : vector<2048x128xf32>
    %max3A_62 = arith.constant 0.000000e+00 : f32
    %max3A_63 = vector.broadcast %max3A_62 : f32 to vector<2048x128xf32>
    %max3A_64 = arith.maximumf %add3A_61, %max3A_63 : vector<2048x128xf32>
    %get3A_65 = arith.constant 0 : index
    %get3A_66 = arith.constant 0 : index
    %get3A_67 = vector.load %arg12[%get3A_65, %get3A_66] : memref<1x128xf32, #tpu.memory_space<vmem>>, vector<1x128xf32>
    %mul3A = vector.broadcast %get3A_67 : vector<1x128xf32> to vector<2048x128xf32>
    %mul3A_68 = arith.mulf %max3A_64, %mul3A : vector<2048x128xf32>
    %reduce_sum3A = arith.constant dense<0.000000e+00> : vector<2048xf32>
    %reduce_sum3A_69 = vector.multi_reduction <add>, %mul3A_68, %reduce_sum3A [1] : vector<2048x128xf32> to vector<2048xf32>
    %neg3A = arith.constant 0.000000e+00 : f32
    %neg3A_70 = vector.broadcast %neg3A : f32 to vector<2048xf32>
    %neg3A_71 = arith.subf %neg3A_70, %reduce_sum3A_69 : vector<2048xf32>
    %exp3A = math.exp %neg3A_71 : vector<2048xf32>
    %add3A_72 = arith.constant 1.000000e+00 : f32
    %add3A_73 = vector.broadcast %add3A_72 : f32 to vector<2048xf32>
    %add3A_74 = arith.addf %add3A_73, %exp3A : vector<2048xf32>
    %div3A = arith.constant 5.000000e+00 : f32
    %div3A_75 = vector.broadcast %div3A : f32 to vector<2048xf32>
    %div3A_76 = arith.divf %div3A_75, %add3A_74 : vector<2048xf32>
    %swap3A = arith.constant 0 : index
    %swap3A_77 = vector.load %arg13[%swap3A] : memref<2048xf32, #tpu.memory_space<vmem>>, vector<2048xf32>
    tpu.vector_store %arg13[%swap3A], %div3A_76 {strides = array<i32>} : memref<2048xf32, #tpu.memory_space<vmem>>, vector<2048xf32>,
    return
  }
  func.func @transform_0(%arg0: i32) -> (i32, i32) {
    %c0_i32 = arith.constant 0 : i32
    %c0_i32_0 = arith.constant 0 : i32
    return %arg0, %c0_i32 : i32, i32
  }
  func.func @transform_1(%arg0: i32) -> (i32, i32) {
    %c0_i32 = arith.constant 0 : i32
    %c0_i32_0 = arith.constant 0 : i32
    return %arg0, %c0_i32 : i32, i32
  }
  func.func @transform_2(%arg0: i32) -> (i32, i32) {
    %c0_i32 = arith.constant 0 : i32
    %c0_i32_0 = arith.constant 0 : i32
    return %arg0, %c0_i32 : i32, i32
  }
  func.func @transform_3(%arg0: i32) -> (i32, i32) {
    %c0_i32 = arith.constant 0 : i32
    %c0_i32_0 = arith.constant 0 : i32
    return %arg0, %c0_i32 : i32, i32
  }
  func.func @transform_4(%arg0: i32) -> (i32, i32) {
    %c0_i32 = arith.constant 0 : i32
    %c0_i32_0 = arith.constant 0 : i32
    %c0_i32_1 = arith.constant 0 : i32
    return %c0_i32, %c0_i32_0 : i32, i32
  }
  func.func @transform_5(%arg0: i32) -> (i32, i32) {
    %c0_i32 = arith.constant 0 : i32
    %c0_i32_0 = arith.constant 0 : i32
    %c0_i32_1 = arith.constant 0 : i32
    return %c0_i32, %c0_i32_0 : i32, i32
  }
  func.func @transform_6(%arg0: i32) -> (i32, i32) {
    %c0_i32 = arith.constant 0 : i32
    %c0_i32_0 = arith.constant 0 : i32
    %c0_i32_1 = arith.constant 0 : i32
    return %c0_i32, %c0_i32_0 : i32, i32
  }
  func.func @transform_7(%arg0: i32) -> (i32, i32) {
    %c0_i32 = arith.constant 0 : i32
    %c0_i32_0 = arith.constant 0 : i32
    %c0_i32_1 = arith.constant 0 : i32
    return %c0_i32, %c0_i32_0 : i32, i32
  }
  func.func @transform_8(%arg0: i32) -> (i32, i32) {
    %c0_i32 = arith.constant 0 : i32
    %c0_i32_0 = arith.constant 0 : i32
    %c0_i32_1 = arith.constant 0 : i32
    return %c0_i32, %c0_i32_0 : i32, i32
  }
  func.func @transform_9(%arg0: i32) -> (i32, i32) {
    %c0_i32 = arith.constant 0 : i32
    %c0_i32_0 = arith.constant 0 : i32
    %c0_i32_1 = arith.constant 0 : i32
    return %c0_i32, %c0_i32_0 : i32, i32
  }
  func.func @transform_10(%arg0: i32) -> (i32, i32) {
    %c0_i32 = arith.constant 0 : i32
    %c0_i32_0 = arith.constant 0 : i32
    %c0_i32_1 = arith.constant 0 : i32
    return %c0_i32, %c0_i32_0 : i32, i32
  }
  func.func @transform_11(%arg0: i32) -> (i32, i32) {
    %c0_i32 = arith.constant 0 : i32
    %c0_i32_0 = arith.constant 0 : i32
    %c0_i32_1 = arith.constant 0 : i32
    return %c0_i32, %c0_i32_0 : i32, i32
  }
  func.func @transform_12(%arg0: i32) -> i32 {
    %c0_i32 = arith.constant 0 : i32
    return %arg0 : i32
  }
}

</mosaic_0001>

<sc_bundles>
// kernel: kernel.6.cloned.1.call-start
scs
__scs_entry_jumppad:
0x0: {  	(pc) =	sbr.rel $0x88, $3  }
0x1: {  	(tag) =	ssettag $0x0;
	lr =	simm.s32 $0x1  }
0x2: {  	[smem:$0x3F95] =	sst lr;
	_ =	strace $0xD0000000  }
0x3: {  	_ = 	snop  }
0x4: {  	_ = 	snop  }
0x5: {  	_ = 	snop  }
0x6: {  	_ = 	snop  }
0x7: {  	_ = 	snop  }
__scs_overlays_trampoline_lowered:
0x8: {  	[smem:$0x3FA4] =	sst s0  }
0x9: {  	[smem:$0x3FA5] =	sst s1  }
0xa: {  	[smem:$0x3FA6] =	sst s2  }
0xb: {  	[smem:$0x3FA7] =	sst s3  }
0xc: {  	[smem:$0x3FA8] =	sst s4  }
0xd: {  	[smem:$0x3FA9] =	sst s5  }
0xe: {  	[smem:$0x3FAA] =	sst s6  }
0xf: {  	[smem:$0x3FAB] =	sst s7  }
0x10: {  	[smem:$0x3FAC] =	sst s8  }
0x11: {  	[smem:$0x3FAD] =	sst s9;
	s0 =	simm.s32 @!p0 $0x0  }
0x12: {  	s1 =	sld [smem:$0x3F93];
	s0 =	simm.s32 @p0 $0x1  }
0x13: {  	[smem:$0x3FAE] =	sst s0;
	s0 =	simm.s32 @!p1 $0x0  }
0x14: {  	s2 =	sld [smem:$0x3F92];
	s0 =	simm.s32 @p1 $0x1  }
0x15: {  	[smem:$0x3FAF] =	sst s0;
	s0 =	simm.s32 @!p2 $0x0  }
0x16: {  	s3 =	sld [smem:$0x3FDB];
	s0 =	simm.s32 @p2 $0x1  }
0x17: {  	s4 =	simm.s32 $0x1BF5;
	[smem:$0x3FB1] =	sst s0  }
0x18: {  	s0 =	sld [smem:$0x3F94];
	_ =	swait.ge [sflag:s4], $0x0  }
0x19: {  	s7 =	sld [smem:$0x3F95]  }
0x1a: {  	s8 =	sadd.s32 $0xFFFFE003, lr  }
0x1b: {  	s9 =	sadd.s32 $0xFFFFFEF7, lr;
	s5 =	simm.s32 $0xFFFFFFFF;
	p2 =	slt.u32 s8, $0xFFFFF086  }
0x1c: {  	p1 =	slt.u32 s9, $0xF7A;
	s5 =	simm.s32 @!p2 $0x0  }
0x1d: {  	s5 =	simm.s32 @p1 $0x1;
	p0 =	seq.s32 s7, s2  }
0x1e: {  	s7 =	smul.u32 @!p0 $0xF7A, s2;
	p2 =	seq.s32 @!p0 s5, $0x0  }
0x1f: {  	s9 =	smul.u32 $0xF7A, s1;
	s8 =	simm.s32 @!p0 $0x1BF5;
	p2 =	por !p2, p0  }
0x20: {  	[sflag:s8] =	ssyncset.s32 @!p0 $0xFFFFF086;
	s6 =	sadd.s32 @!p0 s3, s7;
	s7 =	simm.s32 @!p0 $0x108  }
0x21: {  	s3 =	sadd.s32 s3, s9;
	s6 =	sadd.s32 @!p0 $0x88, s6;
	s7 =	simm.s32 @p2 $0x1082  }
0x22: {  	[simem:s7], [sflag:s8] =	dma.local @!p0 [hbm:s6], $0xF7A  }
0x23: {  	s9 =	sor.u32 $0xD0000000, s2;
	s6 =	simm.s32 $0x108;
	_ =	swait.ge @!p0 [sflag:s8], $0x0  }
0x24: {  	s3 =	sadd.s32 $0x88, s3;
	s6 =	simm.s32 @!p1 $0x1082;
	[sflag:s4] =	ssyncset.s32 $0xFFFFF086  }
0x25: {  	[simem:s6], [sflag:s4] =	dma.local [hbm:s3], $0xF7A  }
0x26: {  	[smem:$0x3F95] =	sst s1;
	(tag) =	ssettag s2;
	_ =	strace s9  }
0x27: {  	s1 =	sld [smem:$0x3FA5]  }
0x28: {  	s2 =	sld [smem:$0x3FA6]  }
0x29: {  	s4 =	sld [smem:$0x3FA8]  }
0x2a: {  	p0 =	seq.s32 s5, $0x0;
	s5 =	sld [smem:$0x3FA9]  }
0x2b: {  	s6 =	sld [smem:$0x3FAA]  }
0x2c: {  	s7 =	sld [smem:$0x3FAB]  }
0x2d: {  	s3 =	simm.s32 $0x108;
	s8 =	sld [smem:$0x3FAC]  }
0x2e: {  	s3 =	simm.s32 @!p0 $0x1082;
	s9 =	sld [smem:$0x3FAD]  }
0x2f: {  	lr =	sadd.s32 s0, s3;
	s0 =	sld [smem:$0x3FA4]  }
0x30: {  	s3 =	sld [smem:$0x3FA7]  }
0x31: {  	[smem:$0x3FB0] =	sst s10  }
0x32: {  	s10 =	sld [smem:$0x3FAE];
	_ =	sdelay $0x3  }
0x33: {  	p0 =	seq.s32 s10, $0x1;
	s10 =	sld [smem:$0x3FB0];
	_ =	sdelay $0x3  }
0x34: {  	[smem:$0x3FB0] =	sst s10  }
0x35: {  	s10 =	sld [smem:$0x3FAF];
	_ =	sdelay $0x3  }
0x36: {  	p1 =	seq.s32 s10, $0x1;
	s10 =	sld [smem:$0x3FB0];
	_ =	sdelay $0x3  }
0x37: {  	[smem:$0x3FB0] =	sst s10  }
0x38: {  	s10 =	sld [smem:$0x3FB1]  }
0x39: {  	_ = 	snop;
	(pc) =	sbr.ind lr, $3  }
0x3a: {  	_ = 	snop  }
0x3b: {  	_ = 	snop  }
0x3c: {  	p2 =	seq.s32 s10, $0x1;
	s10 =	sld [smem:$0x3FB0]  }
0x3d: {  	_ =	shalt  }
0x3e: {  	_ =	shalt  }
0x3f: {  	_ =	shalt  }
0x40: {  	_ =	shalt  }
0x41: {  	_ =	shalt  }
0x42: {  	_ =	shalt  }
0x43: {  	_ =	shalt  }
0x44: {  	_ =	shalt  }
0x45: {  	_ =	shalt  }
0x46: {  	_ =	shalt  }
0x47: {  	_ =	shalt  }
0x48: {  	_ =	shalt  }
0x49: {  	_ =	shalt  }
0x4a: {  	_ =	shalt  }
0x4b: {  	_ =	shalt  }
0x4c: {  	_ =	shalt  }
0x4d: {  	_ =	shalt  }
0x4e: {  	_ =	shalt  }
0x4f: {  	_ =	shalt  }
0x50: {  	_ =	shalt  }
0x51: {  	_ =	shalt  }
0x52: {  	_ =	shalt  }
0x53: {  	_ =	shalt  }
0x54: {  	_ =	shalt  }
0x55: {  	_ =	shalt  }
0x56: {  	_ =	shalt  }
0x57: {  	_ =	shalt  }
0x58: {  	_ =	shalt  }
0x59: {  	_ =	shalt  }
0x5a: {  	_ =	shalt  }
0x5b: {  	_ =	shalt  }
0x5c: {  	_ =	shalt  }
0x5d: {  	_ =	shalt  }
0x5e: {  	_ =	shalt  }
0x5f: {  	_ =	shalt  }
0x60: {  	_ =	shalt  }
0x61: {  	_ =	shalt  }
0x62: {  	_ =	shalt  }
0x63: {  	_ =	shalt  }
0x64: {  	_ =	shalt  }
0x65: {  	_ =	shalt  }
0x66: {  	_ =	shalt  }
0x67: {  	_ =	shalt  }
0x68: {  	_ =	shalt  }
0x69: {  	_ =	shalt  }
0x6a: {  	_ =	shalt  }
0x6b: {  	_ =	shalt  }
0x6c: {  	_ =	shalt  }
0x6d: {  	_ =	shalt  }
0x6e: {  	_ =	shalt  }
0x6f: {  	_ =	shalt  }
0x70: {  	_ =	shalt  }
0x71: {  	_ =	shalt  }
0x72: {  	_ =	shalt  }
0x73: {  	_ =	shalt  }
0x74: {  	_ =	shalt  }
0x75: {  	_ =	shalt  }
0x76: {  	_ =	shalt  }
0x77: {  	_ =	shalt  }
0x78: {  	_ =	shalt  }
0x79: {  	_ =	shalt  }
0x7a: {  	_ =	shalt  }
0x7b: {  	_ =	shalt  }
0x7c: {  	_ =	shalt  }
0x7d: {  	_ =	shalt  }
0x7e: {  	_ =	shalt  }
0x7f: {  	_ =	shalt  }
0x80: {  	_ =	shalt  }
0x81: {  	_ =	shalt  }
0x82: {  	_ =	shalt  }
0x83: {  	_ =	shalt  }
0x84: {  	_ =	shalt  }
0x85: {  	_ =	shalt  }
0x86: {  	_ =	shalt  }
0x87: {  	_ =	shalt  }
.Lfunc_end0:
.L_simem_size_0:
called_computation_lowered:
.L_overlay_start_0:
0x88: {  	s2 =	sld [smem:$0x3FD9]  }
0x89: {  	s3 =	sld [smem:$0x3FFE];
	_ =	sdelay $0x1  }
0x8a: {  	s1 =	srdreg.scid  }
0x8b: {  	s0 =	sand.u32 $0x1, s1  }
0x8c: {  	s17 =	sshll.u32 s0, $0xA;
	s2 =	sadd.s32 s3, s2  }
0x8d: {  	s2 =	sadd.s32 s2, s17  }
0x8e: {  	[smem:$0x3FBC] =	sst s2  }
0x8f: {  	_ = 	snop  }
0x90: {  	s2 =	sld [smem:$0x3FD0];
	(tm) =	ssettm $0x1  }
0x91: {  	s18 =	sld [smem:$0x3FFB];
	_ =	sdelay $0x3  }
0x92: {  	_ =	strace s18  }
0x93: {  	s3 =	sld [smem:$0x3FFC];
	_ =	sdelay $0x3  }
0x94: {  	_ =	strace s3  }
0x95: {  	s3 =	sld [smem:$0x3FFD];
	_ =	sdelay $0x3  }
0x96: {  	_ =	strace s3  }
0x97: {  	_ =	strace $0x8FFFFFFF  }
0x98: {  	s19 =	sld [smem:$0x3FDB];
	_ =	sdelay $0x1  }
0x99: {  	s4 =	simm.s32 $_scs_section_size  }
0x9a: {  	s5 =	simm.s32 $_size__tile_overlayer_lowered;
	s6 =	simm.s32 $_tile_overlayer_lowered  }
0x9b: {  	s22 =	simm.s32 $0x1BFF;
	s21 =	sshll.u32 s6, $0x1;
	s3 =	sadd.s32 s4, s19  }
0x9c: {  	s7 =	simm.s32 $0x0;
	s20 =	sshll.u32 s5, $0x1;
	s5 =	sadd.s32 s21, s3  }
0x9d: {  	[timem:s7], [sflag:s22] =	dma.local [hbm:s5], s20  }
0x9e: {  	_ =	swait.ge [sflag:s22], s20  }
0x9f: {  	s4 =	ssub.s32 $0x0, s20;
	[sflag:s22] =	ssyncset.done $0x0  }
0xa0: {  	[sflag:s22] =	ssyncadd.s32 s4;
	_ =	sdelay $0x1  }
0xa1: {  	s23 =	simm.s32 $0x1B8B  }
0xa2: {  	_ =	swait.ge [sflag:s23], $0x1  }
0xa3: {  	[sflag:s23] =	ssyncset.done $0x0  }
0xa4: {  	s25 =	simm.s32 $0x1B8E;
	s24 =	sld [smem:$0x3FFE];
	[sflag:s23] =	ssyncadd.s32 $0xFFFFFFFF  }
0xa5: {  	s26 =	simm.s32 $execute0_lowered;
	[smem:$0x3FD2] =	sst s25  }
0xa6: {  	s5 =	sshll.u32 s26, $0x1;
	_ =	strace $0x80000046;
	[dreg:$0x1] =	wrdreg $0xFFFFFFFF  }
0xa7: {  	s28 =	simm.s32 $_size_execute0_lowered;
	s3 =	sadd.s32 s3, s5;
	[dreg:$0x0] =	wrdreg $0x0  }
0xa8: {  	s5 =	sshll.u32 s28, $0x1;
	[dreg:$0x2] =	wrdreg s3  }
0xa9: {  	[dreg:$0x3] =	wrdreg s5  }
0xaa: {  	[dreg:$0x4] =	wrdreg $0xC0  }
0xab: {  	_ =	task [dreg:s7], $0x5FFFF  }
0xac: {  	[dreg:$0x1] =	wrdreg $0xFFFFFFFF  }
0xad: {  	[dreg:$0x0] =	wrdreg $0x60  }
0xae: {  	[dreg:$0x2] =	wrdreg s2  }
0xaf: {  	[dreg:$0x3] =	wrdreg s24  }
0xb0: {  	[dreg:$0x4] =	wrdreg $0x9  }
0xb1: {  	_ =	task.clear_ibuf [dreg:s7], $0x5FFFF;
	_ =	strace $0x90000046  }
0xb2: {  	s29 =	simm.s32 $0x9;
	_ =	strace $0x80000048  }
0xb3: {  	_ =	swait.ge [sflag:s29], $0x1  }
0xb4: {  	[sflag:s29] =	ssyncadd.s32 $0xFFFFFFFF  }
0xb5: {  	_ =	strace $0x90000048  }
0xb6: {  	_ =	sfence  }
0xb7: {  	s30 =	sld [smem:$0x0];
	_ =	sdelay $0x2  }
0xb8: {  	s31 =	sshll.u32 s1, $0xD;
	s1 =	sshrl.u32 s1, $0x2  }
0xb9: {  	s3 =	sand.u32 $0x4000, s31;
	s1 =	sadd.s32 s1, s30  }
0xba: {  	s0 =	sor.u32 s3, s0;
	s1 =	sshll.u32 s1, $0x11  }
0xbb: {  	s0 =	sor.u32 s1, s0  }
0xbc: {  	s0 =	sadd.s32 $0x8F2B, s0  }
0xbd: {  	[sflag:s0] =	ssyncadd.remote.s32 $0x1  }
0xbe: {  	_ =	sfence.sel $0xFFFF  }
0xbf: {  	[dreg:$0x0] =	wrdreg $0xFFFFFFFF;
	(pc) =	sbr.abs _section_cstart, $3  }
0xc0: {  	[dreg:$0x1] =	wrdreg $0xFFFFFFFF  }
0xc1: {  	_ =	task.clear_ibuf [dreg:s7], $0x2FFFF;
	_ =	strace $0x9FFFFFFF  }
0xc2: {  	(tm) =	ssettm $0x7FFFFFFF  }
0xc3: {  	_ =	shalt  }
tec
execute0_lowered:
.L_overlay_start_1:
0x0: {  	(tag) =	ssettag $0x1  }
0x1: {  	s3 =	rddreg [dreg:$0x0]  }
0x2: {  	s17 =	rddreg [dreg:$0x1];
	s2 =	srdreg.scid  }
0x3: {  	s0 =	rddreg [dreg:$0x2];
	s1 =	stileid.u32;
	s21 =	sand.u32 $0x1, s2  }
0x4: {  	s2 =	simm.s32 $0x0;
	s4 =	sshll.u32 s1, $0x7;
	s5 =	sshll.u32 s21, $0x6  }
0x5: {  	[smem:$0x7FF] =	sst s2;
	s5 =	sor.u32 s5, s4  }
0x6: {  	_ =	strace $0x80000047;
	s4 =	sadd.s32 s3, s5;
	s3 =	simm.s32 $0x2  }
0x7: {  	[tilespmem:s2], [sflag:$0x2] =	stream.linear.gather [hbm4b:s4+s2], $0x200, $0x38;
	[tilespmem:$0x10400] =	vst v63  }
0x8: {  	_ =	swait.ge [sflag:s3], $0x200  }
0x9: {  	s5 =	sadd.s32 s5, s17;
	[sflag:s3] =	ssyncset.done $0x0  }
0xa: {  	s6 =	simm.s32 $0x200;
	s5 =	sadd.s32 $0x8A1800, s5;
	[sflag:s3] =	ssyncadd.s32 $0xFFFFFE00  }
0xb: {  	[tilespmem:s6], [sflag:$0x2] =	stream.linear.gather [hbm4b:s5+s2], $0x200, $0x38;
	[tilespmem:$0x10400] =	vst v63  }
0xc: {  	_ =	swait.ge [sflag:s3], $0x200  }
0xd: {  	s8 =	simm.s32 $0x80;
	[sflag:s3] =	ssyncset.done $0x0  }
0xe: {  	s9 =	simm.s32 $0x400;
	s7 =	sadd.s32 $0x1800, s17;
	[sflag:s3] =	ssyncadd.s32 $0xFFFFFE00  }
0xf: {  	[tilespmem:s9], [sflag:$0x1] =	stream.indirect.gather [hbm4b:s7+s8], $0x80, s2, s8, $0xb8;
	[tilespmem:$0x10400] =	vst v63  }
0x10: {  	s10 =	simm.s32 $0x4400  }
0x11: {  	[tilespmem:s10], [sflag:$0x1] =	stream.indirect.gather [hbm4b:s7+s8], $0x80, s8, s8, $0xb8;
	[tilespmem:$0x10400] =	vst v63  }
0x12: {  	s11 =	simm.s32 $0x100;
	s12 =	simm.s32 $0x8400  }
0x13: {  	[tilespmem:s12], [sflag:$0x1] =	stream.indirect.gather [hbm4b:s7+s8], $0x80, s11, s8, $0xb8;
	[tilespmem:$0x10400] =	vst v63  }
0x14: {  	s13 =	simm.s32 $0x180;
	s14 =	simm.s32 $0xC400;
	s15 =	simm.s32 $0x1  }
0x15: {  	[tilespmem:s14], [sflag:$0x1] =	stream.indirect.gather [hbm4b:s7+s8], $0x80, s13, s8, $0xb8;
	[tilespmem:$0x10400] =	vst v63  }
0x16: {  	_ =	swait.ge [sflag:s15], $0x4000  }
0x17: {  	[sflag:s15] =	ssyncset.done $0x0  }
0x18: {  	[sflag:s15] =	ssyncadd.s32 $0xFFFFC000  }
0x19: {  	_ =	swait.ge [sflag:s15], $0x4000  }
0x1a: {  	[sflag:s15] =	ssyncset.done $0x0  }
0x1b: {  	[sflag:s15] =	ssyncadd.s32 $0xFFFFC000  }
0x1c: {  	_ =	swait.ge [sflag:s15], $0x4000  }
0x1d: {  	[sflag:s15] =	ssyncset.done $0x0  }
0x1e: {  	s16 =	sshll.u32 s1, $0xE;
	s18 =	sshll.u32 s21, $0xD;
	[sflag:s15] =	ssyncadd.s32 $0xFFFFC000  }
0x1f: {  	s16 =	sor.u32 s18, s16;
	_ =	swait.ge [sflag:s15], $0x4000  }
0x20: {  	s22 =	sadd.s32 s16, s17;
	[sflag:s15] =	ssyncset.done $0x0  }
0x21: {  	s16 =	sadd.s32 $0x8A2000, s22;
	[sflag:s15] =	ssyncadd.s32 $0xFFFFC000  }
0x22: {  	[hbm4b:s16+s2] =	stream.linear.scatter [tilespmem:s9], [sflag:$0x2], $0x10000, $0x38;
	[tilespmem:$0x10400] =	vst v63  }
0x23: {  	_ =	swait.ge [sflag:s3], $0x10000  }
0x24: {  	[sflag:s3] =	ssyncset.done $0x0  }
0x25: {  	s17 =	sadd.s32 $0x7C1800, s17;
	[sflag:s3] =	ssyncadd.s32 $0xFFFF0000  }
0x26: {  	[tilespmem:s9], [sflag:$0x1] =	stream.indirect.gather [hbm4b:s17+s8], $0x80, s6, s8, $0xb8;
	[tilespmem:$0x10400] =	vst v63  }
0x27: {  	s18 =	simm.s32 $0x280  }
0x28: {  	[tilespmem:s10], [sflag:$0x1] =	stream.indirect.gather [hbm4b:s17+s8], $0x80, s18, s8, $0xb8;
	[tilespmem:$0x10400] =	vst v63  }
0x29: {  	s19 =	simm.s32 $0x300  }
0x2a: {  	[tilespmem:s12], [sflag:$0x1] =	stream.indirect.gather [hbm4b:s17+s8], $0x80, s19, s8, $0xb8;
	[tilespmem:$0x10400] =	vst v63  }
0x2b: {  	s20 =	simm.s32 $0x380  }
0x2c: {  	[tilespmem:s14], [sflag:$0x1] =	stream.indirect.gather [hbm4b:s17+s8], $0x80, s20, s8, $0xb8;
	[tilespmem:$0x10400] =	vst v63  }
0x2d: {  	_ =	swait.ge [sflag:s15], $0x4000  }
0x2e: {  	[sflag:s15] =	ssyncset.done $0x0  }
0x2f: {  	[sflag:s15] =	ssyncadd.s32 $0xFFFFC000  }
0x30: {  	_ =	swait.ge [sflag:s15], $0x4000  }
0x31: {  	[sflag:s15] =	ssyncset.done $0x0  }
0x32: {  	s21 =	ssub.s32 $0x2, s21;
	[sflag:s15] =	ssyncadd.s32 $0xFFFFC000  }
0x33: {  	s23 =	sshrl.u32 s21, $0x1;
	_ =	swait.ge [sflag:s15], $0x4000  }
0x34: {  	s23 =	ssub.s32 s21, s23;
	[sflag:s15] =	ssyncset.done $0x0  }
0x35: {  	s31 =	smax.u32 s23, $0x1;
	[sflag:s15] =	ssyncadd.s32 $0xFFFFC000  }
0x36: {  	p0 =	sne.s32 s31, $0x1;
	_ =	swait.ge [sflag:s15], $0x4000  }
.Ltmp0:
0x37: {  	[sflag:s15] =	ssyncset.done $0x0;
	(pc) =	sbr.rel @!p0 .LBB2_2-.Ltmp0, $4  }
0x38: {  	s21 =	sadd.s32 $0x8E2000, s22;
	[sflag:s15] =	ssyncadd.s32 $0xFFFFC000  }
0x39: {  	[hbm4b:s21+s2] =	stream.linear.scatter [tilespmem:s9], [sflag:$0x2], $0x10000, $0x38;
	[tilespmem:$0x10400] =	vst v63  }
0x3a: {  	_ =	swait.ge [sflag:s3], $0x10000  }
0x3b: {  	s22 =	sadd.s32 $0xFFFFFFFF, s31;
	[sflag:s3] =	ssyncset.done $0x0  }
.LBB2_1:
0x3c: {  	p0 =	sne.s32 s22, $0x1;
	s22 =	sadd.s32 $0xFFFFFFFF, s22;
	[sflag:s3] =	ssyncadd.s32 $0xFFFF0000  }
0x3d: {  	[tilespmem:s2], [sflag:$0x2] =	stream.linear.gather [hbm4b:s4+s2], $0x200, $0x38;
	[tilespmem:$0x10400] =	vst v63  }
0x3e: {  	_ =	swait.ge [sflag:s3], $0x200  }
0x3f: {  	[sflag:s3] =	ssyncset.done $0x0  }
0x40: {  	[sflag:s3] =	ssyncadd.s32 $0xFFFFFE00  }
0x41: {  	[tilespmem:s6], [sflag:$0x2] =	stream.linear.gather [hbm4b:s5+s2], $0x200, $0x38;
	[tilespmem:$0x10400] =	vst v63  }
0x42: {  	_ =	swait.ge [sflag:s3], $0x200  }
0x43: {  	[sflag:s3] =	ssyncset.done $0x0  }
0x44: {  	[sflag:s3] =	ssyncadd.s32 $0xFFFFFE00  }
0x45: {  	[tilespmem:s9], [sflag:$0x1] =	stream.indirect.gather [hbm4b:s7+s8], $0x80, s2, s8, $0xb8;
	[tilespmem:$0x10400] =	vst v63  }
0x46: {  	_ = 	snop  }
0x47: {  	[tilespmem:s10], [sflag:$0x1] =	stream.indirect.gather [hbm4b:s7+s8], $0x80, s8, s8, $0xb8;
	[tilespmem:$0x10400] =	vst v63  }
0x48: {  	_ = 	snop  }
0x49: {  	[tilespmem:s12], [sflag:$0x1] =	stream.indirect.gather [hbm4b:s7+s8], $0x80, s11, s8, $0xb8;
	[tilespmem:$0x10400] =	vst v63  }
0x4a: {  	_ = 	snop  }
0x4b: {  	[tilespmem:s14], [sflag:$0x1] =	stream.indirect.gather [hbm4b:s7+s8], $0x80, s13, s8, $0xb8;
	[tilespmem:$0x10400] =	vst v63  }
0x4c: {  	_ =	swait.ge [sflag:s15], $0x4000  }
0x4d: {  	[sflag:s15] =	ssyncset.done $0x0  }
0x4e: {  	[sflag:s15] =	ssyncadd.s32 $0xFFFFC000  }
0x4f: {  	_ =	swait.ge [sflag:s15], $0x4000  }
0x50: {  	[sflag:s15] =	ssyncset.done $0x0  }
0x51: {  	[sflag:s15] =	ssyncadd.s32 $0xFFFFC000  }
0x52: {  	_ =	swait.ge [sflag:s15], $0x4000  }
0x53: {  	[sflag:s15] =	ssyncset.done $0x0  }
0x54: {  	[sflag:s15] =	ssyncadd.s32 $0xFFFFC000  }
0x55: {  	_ =	swait.ge [sflag:s15], $0x4000  }
0x56: {  	[sflag:s15] =	ssyncset.done $0x0  }
0x57: {  	[sflag:s15] =	ssyncadd.s32 $0xFFFFC000  }
0x58: {  	[hbm4b:s16+s2] =	stream.linear.scatter [tilespmem:s9], [sflag:$0x2], $0x10000, $0x38;
	[tilespmem:$0x10400] =	vst v63  }
0x59: {  	_ =	swait.ge [sflag:s3], $0x10000  }
0x5a: {  	[sflag:s3] =	ssyncset.done $0x0  }
0x5b: {  	[sflag:s3] =	ssyncadd.s32 $0xFFFF0000  }
0x5c: {  	[tilespmem:s9], [sflag:$0x1] =	stream.indirect.gather [hbm4b:s17+s8], $0x80, s6, s8, $0xb8;
	[tilespmem:$0x10400] =	vst v63  }
0x5d: {  	_ = 	snop  }
0x5e: {  	[tilespmem:s10], [sflag:$0x1] =	stream.indirect.gather [hbm4b:s17+s8], $0x80, s18, s8, $0xb8;
	[tilespmem:$0x10400] =	vst v63  }
0x5f: {  	_ = 	snop  }
0x60: {  	[tilespmem:s12], [sflag:$0x1] =	stream.indirect.gather [hbm4b:s17+s8], $0x80, s19, s8, $0xb8;
	[tilespmem:$0x10400] =	vst v63  }
0x61: {  	_ = 	snop  }
0x62: {  	[tilespmem:s14], [sflag:$0x1] =	stream.indirect.gather [hbm4b:s17+s8], $0x80, s20, s8, $0xb8;
	[tilespmem:$0x10400] =	vst v63  }
0x63: {  	_ =	swait.ge [sflag:s15], $0x4000  }
0x64: {  	[sflag:s15] =	ssyncset.done $0x0  }
0x65: {  	[sflag:s15] =	ssyncadd.s32 $0xFFFFC000  }
0x66: {  	_ =	swait.ge [sflag:s15], $0x4000  }
0x67: {  	[sflag:s15] =	ssyncset.done $0x0  }
0x68: {  	[sflag:s15] =	ssyncadd.s32 $0xFFFFC000  }
0x69: {  	_ =	swait.ge [sflag:s15], $0x4000  }
0x6a: {  	[sflag:s15] =	ssyncset.done $0x0  }
0x6b: {  	[sflag:s15] =	ssyncadd.s32 $0xFFFFC000  }
0x6c: {  	_ =	swait.ge [sflag:s15], $0x4000  }
.Ltmp1:
0x6d: {  	[sflag:s15] =	ssyncset.done $0x0;
	(pc) =	sbr.rel @p0 .LBB2_1-.Ltmp1, $4  }
0x6e: {  	[sflag:s15] =	ssyncadd.s32 $0xFFFFC000  }
0x6f: {  	[hbm4b:s21+s2] =	stream.linear.scatter [tilespmem:s9], [sflag:$0x2], $0x10000, $0x38;
	[tilespmem:$0x10400] =	vst v63  }
0x70: {  	_ =	swait.ge [sflag:s3], $0x10000  }
0x71: {  	[sflag:s3] =	ssyncset.done $0x0  }
.LBB2_2:
0x72: {  	[sflag:s3] =	ssyncadd.s32 $0xFFFF0000  }
0x73: {  	_ =	sfence.sel $0x180000  }
0x74: {  	[bflag:$0x0] =	sbarrier.arrive $0xFFFF  }
0x75: {  	p0 =	sne.s32 s1, $0x0;
	_ =	strace $0x90000047  }
0x76: {  	s0 =	sadd.s32 @!p0 $0x100000, s0;
	[bflag:$0x2] =	sbarrier.arrive $0xFFFF  }
0x77: {  	[sflag:s0] =	ssyncadd.tile.s32 @!p0 $0x1;
	_ =	shalt  }
.Lfunc_end2:
_tile_overlayer_lowered:
.L_overlay_start_2:
0x78: {  	(tag) =	ssettag $0x2  }
0x79: {  	s0 =	rddreg [dreg:$0x0];
	s2 =	stileid.u32  }
0x7a: {  	s1 =	rddreg [dreg:$0x1];
	p0 =	sne.s32 s2, $0x0  }
0x7b: {  	s3 =	rddreg [dreg:$0x2];
	[bflag:$0x3] =	sbarrier.arrive $0xFFFF;
	s2 =	simm.s32 @!p0 $0x1C02  }
0x7c: {  	[timem:s3], [sflag:s2] =	dma.local @!p0 [hbm:s0], s1  }
0x7d: {  	s0 =	simm.s32 @!p0 $0x2  }
0x7e: {  	_ =	swait.ge @!p0 [sflag:s0], s1  }
0x7f: {  	s1 =	ssub.s32 @!p0 $0x0, s1;
	[sflag:s0] =	ssyncset.done @!p0 $0x0  }
0x80: {  	[sflag:s0] =	ssyncadd.s32 @!p0 s1  }
0x81: {  	[bflag:$0x3] =	sbarrier.arrive $0xFFFF  }
0x82: {  	_ =	shalt  }

</sc_bundles>
